<compile_context>
chip_gen: v7x
topology: tpu7x:2x2x1
jax: 0.10.2.dev20260603
libtpu: 0.0.44.dev20260713+nightly
codegen_flags: <defaults>
</compile_context>

<pallas_src>
import functools

import jax
import jax.numpy as jnp
from jax import lax
from jax.experimental import pallas as pl
from jax.experimental.pallas import tpu as pltpu
from jax.experimental.pallas import tpu_sc as plsc

_N = 20000
_L = 16
_C1 = 1264
_MAX_DET = 100
_KCAP = 112
_OUTW = 512
_IOU_THRESH = 0.5
_SCORE_THRESH = 0.05
_NEG = -1e9


def _thresh(v):
    return jnp.where(v > _SCORE_THRESH, v,
                     jnp.where(v < -1e30, -jnp.inf, jnp.float32(_NEG)))


def _sc_body(x1_hbm, y1_hbm, x2_hbm, y2_hbm, sc_hbm, out_hbm,
             s_ref, x1_ref, y1_ref, x2_ref, y2_ref,
             l1_ref, l2_ref,
             kx1, ky1, kx2, ky2, ka, out_ref, fil_ref, dma_sem, sc_sem):
    tile0 = (lax.axis_index("c") == 0) & (lax.axis_index("s") == 0)

    @pl.when(tile0)
    def _():
        iota = lax.broadcasted_iota(jnp.int32, (_L,), 0)
        lane0 = iota == 0
        out5 = iota < 5
        ninf = jnp.full((_L,), -jnp.inf, jnp.float32)

        scp = pltpu.async_copy(sc_hbm, s_ref.at[pl.ds(0, _N)], sc_sem)
        cps = [pltpu.async_copy(src, dst, dma_sem)
               for src, dst in ((x1_hbm, x1_ref), (y1_hbm, y1_ref),
                                (x2_hbm, x2_ref), (y2_hbm, y2_ref))]
        scp.wait()

        for t in range((_C1 * _L - _N) // _L):
            s_ref[pl.ds(_N + t * _L, _L)] = ninf
        l1_ref[pl.ds(_C1, _L)] = ninf

        def l1_body(k, _):
            base = k * (_L * _L)
            acc = plsc.load_gather(s_ref, [base + iota * _L + iota])
            for t in range(1, _L):
                acc = jnp.maximum(
                    acc,
                    plsc.load_gather(
                        s_ref, [base + iota * _L + ((iota + t) & (_L - 1))]))
            l1_ref[pl.ds(k * _L, _L)] = _thresh(acc)
            return 0
        lax.fori_loop(0, _C1 // _L, l1_body, 0)

        def l2_body(k, _):
            base = k * (_L * _L)
            acc = plsc.load_gather(l1_ref, [base + iota * _L + iota])
            for t in range(1, _L):
                acc = jnp.maximum(
                    acc,
                    plsc.load_gather(
                        l1_ref, [base + iota * _L + ((iota + t) & (_L - 1))]))
            l2_ref[pl.ds(k * _L, _L)] = acc
            return 0
        lax.fori_loop(0, 80 // _L, l2_body, 0)

        l3_init = ninf
        for q in range(80 // _L):
            mq = jnp.max(l2_ref[pl.ds(q * _L, _L)])
            l3_init = jnp.where(iota == q, jnp.full((_L,), mq), l3_init)

        for cp in cps:
            cp.wait()

        def cond(st):
            kc, fc, processed = st[0], st[1], st[2]
            return (kc < _MAX_DET) & (processed < _N)

        def body(st):
            kc, fc, processed, l3v, m = st
            m_v = jnp.full((_L,), m)
            q_v = plsc.all_reduce_ffs(l3v == m_v)
            l2v = plsc.load_gather(l2_ref, [q_v * _L + iota])
            g_v = q_v * _L + plsc.all_reduce_ffs(l2v == m_v)
            l1v = plsc.load_gather(l1_ref, [g_v * _L + iota])
            c_v = g_v * _L + plsc.all_reduce_ffs(l1v == m_v)
            sv = _thresh(plsc.load_gather(s_ref, [c_v * _L + iota]))
            j_v = c_v * _L + plsc.all_reduce_ffs(sv == m_v)

            bx1 = plsc.load_gather(x1_ref, [j_v])
            by1 = plsc.load_gather(y1_ref, [j_v])
            bx2 = plsc.load_gather(x2_ref, [j_v])
            by2 = plsc.load_gather(y2_ref, [j_v])
            area = (jnp.maximum(bx2 - bx1, 0.0)
                    * jnp.maximum(by2 - by1, 0.0))

            def iou_blk(kk, acc):
                sl = pl.ds(kk * _L, _L)
                xx1 = jnp.maximum(kx1[sl], bx1)
                yy1 = jnp.maximum(ky1[sl], by1)
                xx2 = jnp.minimum(kx2[sl], bx2)
                yy2 = jnp.minimum(ky2[sl], by2)
                inter = (jnp.maximum(xx2 - xx1, 0.0)
                         * jnp.maximum(yy2 - yy1, 0.0))
                iou = inter / (ka[sl] + area - inter + 1e-9)
                lanemask = (iota + kk * _L) < kc
                return jnp.maximum(acc, jnp.where(lanemask, iou, -1.0))

            nblk = (kc + (_L - 1)) // _L
            acc = lax.fori_loop(0, nblk, iou_blk,
                                jnp.full((_L,), -1.0, jnp.float32))
            suppressed = jnp.max(acc) > _IOU_THRESH
            valid = m > -1e8
            keep_it = valid & jnp.logical_not(suppressed)

            row = bx1
            row = jnp.where(iota == 1, by1, row)
            row = jnp.where(iota == 2, bx2, row)
            row = jnp.where(iota == 3, by2, row)
            row = jnp.where(iota == 4, m_v, row)

            filler_slot = jnp.logical_not(keep_it) & (fc < _MAX_DET)
            kc_v = jnp.full((_L,), jnp.where(keep_it, kc, 101))
            fc_v = jnp.full((_L,), jnp.where(filler_slot, fc, 101))
            plsc.store_scatter(kx1, [kc_v], bx1, mask=lane0)
            plsc.store_scatter(ky1, [kc_v], by1, mask=lane0)
            plsc.store_scatter(kx2, [kc_v], bx2, mask=lane0)
            plsc.store_scatter(ky2, [kc_v], by2, mask=lane0)
            plsc.store_scatter(ka, [kc_v], area, mask=lane0)
            plsc.store_scatter(out_ref, [kc_v * 5 + iota], row, mask=out5)
            plsc.store_scatter(fil_ref, [fc_v * 5 + iota], row, mask=out5)

            plsc.store_scatter(s_ref, [j_v], ninf, mask=lane0)
            sv_after = jnp.where(iota == j_v - c_v * _L, -jnp.inf, sv)
            mx_ex_l1 = jnp.max(jnp.where(iota == c_v - g_v * _L, -jnp.inf,
                                         l1v))
            mx_ex_l2 = jnp.max(jnp.where(iota == g_v - q_v * _L, -jnp.inf,
                                         l2v))
            mx_ex_l3 = jnp.max(jnp.where(iota == q_v, -jnp.inf, l3v))
            l1_new = jnp.max(sv_after)
            plsc.store_scatter(l1_ref, [c_v], jnp.full((_L,), l1_new),
                               mask=lane0)
            l2_new = jnp.maximum(l1_new, mx_ex_l1)
            plsc.store_scatter(l2_ref, [g_v], jnp.full((_L,), l2_new),
                               mask=lane0)
            l3_new = jnp.maximum(l2_new, mx_ex_l2)
            l3v = jnp.where(iota == q_v, jnp.full((_L,), l3_new), l3v)
            m = jnp.maximum(l3_new, mx_ex_l3)

            kc = jnp.where(keep_it, kc + 1, kc)
            fc = jnp.where(filler_slot, fc + 1, fc)
            return (kc, fc, processed + 1, l3v, m)

        kc, fc, _, _, _ = lax.while_loop(
            cond, body, (jnp.int32(0), jnp.int32(0), jnp.int32(0),
                         l3_init, jnp.max(l3_init)))

        def fcond(i):
            return i < _MAX_DET

        def fbody(i):
            src = jnp.full((_L,), i - kc) * 5 + iota
            dst = jnp.full((_L,), i) * 5 + iota
            v = plsc.load_gather(fil_ref, [src])
            plsc.store_scatter(out_ref, [dst], v, mask=out5)
            return i + 1

        lax.while_loop(fcond, fbody, kc)

        pltpu.sync_copy(out_ref, out_hbm)


_sc_nms = functools.partial(
    pl.kernel,
    out_type=jax.ShapeDtypeStruct((_OUTW,), jnp.float32),
    mesh=plsc.VectorSubcoreMesh(core_axis_name="c", subcore_axis_name="s"),
    compiler_params=pltpu.CompilerParams(needs_layout_passes=False),
    scratch_types=[
        pltpu.VMEM((_C1 * _L,), jnp.float32),
        pltpu.VMEM((_N,), jnp.float32),
        pltpu.VMEM((_N,), jnp.float32),
        pltpu.VMEM((_N,), jnp.float32),
        pltpu.VMEM((_N,), jnp.float32),
        pltpu.VMEM((_C1 + _L,), jnp.float32),
        pltpu.VMEM((80,), jnp.float32),
        pltpu.VMEM((_KCAP,), jnp.float32),
        pltpu.VMEM((_KCAP,), jnp.float32),
        pltpu.VMEM((_KCAP,), jnp.float32),
        pltpu.VMEM((_KCAP,), jnp.float32),
        pltpu.VMEM((_KCAP,), jnp.float32),
        pltpu.VMEM((_OUTW,), jnp.float32),
        pltpu.VMEM((_OUTW,), jnp.float32),
        pltpu.SemaphoreType.DMA,
        pltpu.SemaphoreType.DMA,
    ],
)(_sc_body)


def kernel(boxes, scores):
    out = _sc_nms(boxes[:, 0], boxes[:, 1], boxes[:, 2], boxes[:, 3], scores)
    return out[:_MAX_DET * 5].reshape(_MAX_DET, 5)

# --- scband reference (transcript-rebuilt; emitter-appended) ---
"""Pipeline reference for scband-post-processor-77257871720852 (READ-ONLY COPY).

The authoritative reference and input builder live on the scoring server;
editing this copy changes nothing except your own understanding.
"""

import jax, jax.numpy as jnp
import numpy as np

N = 20000
IOU_THRESH = 0.5
SCORE_THRESH = 0.05
MAX_DET = 100


def setup_inputs(seed: int = 0) -> dict:
    key = jax.random.key(seed)
    k1, k2 = jax.random.split(key, 2)
    raw = jax.random.uniform(k1, (N, 4), dtype=jnp.float32)
    cx = raw[:, 0] * 1000.0
    cy = raw[:, 1] * 1000.0
    w = raw[:, 2] * 99.0 + 1.0
    h = raw[:, 3] * 99.0 + 1.0
    boxes = jnp.stack([cx - w / 2, cy - h / 2, cx + w / 2, cy + h / 2], axis=1)
    scores = jax.random.uniform(k2, (N,), dtype=jnp.float32)
    return {"boxes": boxes, "scores": scores}


def _nms(boxes, scores):
    # score-threshold filter (PostProcessor.score_thresh)
    valid = scores > SCORE_THRESH
    s = jnp.where(valid, scores, -1e9)
    # sort by descending score
    order = jnp.argsort(-s)
    b = boxes[order]
    ss = s[order]
    x1, y1, x2, y2 = b[:, 0], b[:, 1], b[:, 2], b[:, 3]
    areas = jnp.maximum(x2 - x1, 0.0) * jnp.maximum(y2 - y1, 0.0)
    n = b.shape[0]
    idx = jnp.arange(n)
    init_keep = ss > -1e8

    def body(i, keep):
        xx1 = jnp.maximum(x1[i], x1)
        yy1 = jnp.maximum(y1[i], y1)
        xx2 = jnp.minimum(x2[i], x2)
        yy2 = jnp.minimum(y2[i], y2)
        inter = jnp.maximum(xx2 - xx1, 0.0) * jnp.maximum(yy2 - yy1, 0.0)
        iou = inter / (areas[i] + areas - inter + 1e-9)
        suppress = (iou > IOU_THRESH) & (idx > i) & keep[i]
        return keep & (~suppress)

    keep = jax.lax.fori_loop(0, n, body, init_keep)
    keep = jax.lax.stop_gradient(keep)
    # take top detections_per_img surviving boxes
    kept_scores = jnp.where(keep, ss, -1e9)
    _, top_idx = jax.lax.top_k(kept_scores, MAX_DET)
    out_boxes = b[top_idx]
    out_scores = ss[top_idx]
    return jnp.concatenate([out_boxes, out_scores[:, None]], axis=1)


def reference(boxes, scores):
    return _nms(boxes, scores)

if __name__ == "__main__":
    import jax
    _d = setup_inputs()
    print(jax.jit(kernel)(*tuple(_d.values())))

</pallas_src>

<mosaic_0001>
#map = affine_map<(d0, d1) -> (0)>
module attributes {stable_mosaic.version = 14 : i64} {
  func.func @_sc_body(%arg0: i32, %arg1: i32, %arg2: memref<20000xf32, #tpu.memory_space<hbm>>, %arg3: memref<20000xf32, #tpu.memory_space<hbm>>, %arg4: memref<20000xf32, #tpu.memory_space<hbm>>, %arg5: memref<20000xf32, #tpu.memory_space<hbm>>, %arg6: memref<20000xf32, #tpu.memory_space<hbm>>, %arg7: memref<512xf32, #tpu.memory_space<hbm>>, %arg8: memref<20224xf32, #tpu.memory_space<vmem>>, %arg9: memref<20000xf32, #tpu.memory_space<vmem>>, %arg10: memref<20000xf32, #tpu.memory_space<vmem>>, %arg11: memref<20000xf32, #tpu.memory_space<vmem>>, %arg12: memref<20000xf32, #tpu.memory_space<vmem>>, %arg13: memref<1280xf32, #tpu.memory_space<vmem>>, %arg14: memref<80xf32, #tpu.memory_space<vmem>>, %arg15: memref<112xf32, #tpu.memory_space<vmem>>, %arg16: memref<112xf32, #tpu.memory_space<vmem>>, %arg17: memref<112xf32, #tpu.memory_space<vmem>>, %arg18: memref<112xf32, #tpu.memory_space<vmem>>, %arg19: memref<112xf32, #tpu.memory_space<vmem>>, %arg20: memref<512xf32, #tpu.memory_space<vmem>>, %arg21: memref<512xf32, #tpu.memory_space<vmem>>, %arg22: memref<!tpu.dma_semaphore, #tpu.memory_space<semaphore_mem>>, %arg23: memref<!tpu.dma_semaphore, #tpu.memory_space<semaphore_mem>>) attributes {dimension_semantics = [#tpu.dimension_semantics<core_parallel>, #tpu.dimension_semantics<subcore_parallel>], iteration_bounds = array<i64: 2, 16>, scalar_prefetch = 0 : i64, scratch_operands = 16 : i64, tpu.core_type = #tpu.core_type<sc_vector_subcore>, window_params = [{transform_indices = #map}, {transform_indices = #map}, {transform_indices = #map}, {transform_indices = #map}, {transform_indices = #map}, {transform_indices = #map}]} {
    %eq3A = arith.constant 0 : i32
    %eq3A_0 = arith.cmpi eq, %arg0, %eq3A : i32
    %eq3A_1 = arith.constant 0 : i32
    %eq3A_2 = arith.cmpi eq, %arg1, %eq3A_1 : i32
    %and3A = arith.andi %eq3A_0, %eq3A_2 : i1
    %convert_element_type3A = arith.extui %and3A : i1 to i32
    %cond3A = arith.constant 0 : i32
    %cond3A_3 = arith.cmpi ne, %convert_element_type3A, %cond3A : i32
    scf.if %cond3A_3 {
      %iota3A = tpu.iota {dimensions = array<i32: 0>} : vector<16xi32>
      %eq3A_4 = arith.constant 0 : i32
      %eq3A_5 = vector.broadcast %eq3A_4 : i32 to vector<16xi32>
      %eq3A_6 = arith.cmpi eq, %iota3A, %eq3A_5 : vector<16xi32>
      %lt3A = arith.constant 5 : i32
      %lt3A_7 = vector.broadcast %lt3A : i32 to vector<16xi32>
      %lt3A_8 = arith.cmpi slt, %iota3A, %lt3A_7 : vector<16xi32>
      %broadcast_in_dim3A = arith.constant 0xFF800000 : f32
      %broadcast_in_dim3A_9 = vector.broadcast %broadcast_in_dim3A : f32 to vector<16xf32>
      %dma_start3A = arith.constant 0 : i32
      %dma_start3A_10 = tpu.memref_slice %arg8[%dma_start3A] : memref<20224xf32, #tpu.memory_space<vmem>> -> memref<20000xf32, #tpu.memory_space<vmem>>
      %dma_start3A_11 = arith.constant 0 : i32
      %dma_start3A_12 = tpu.memref_slice %arg8[%dma_start3A_11] : memref<20224xf32, #tpu.memory_space<vmem>> -> memref<20000xf32, #tpu.memory_space<vmem>>
      tpu.enqueue_dma source(%arg6 : memref<20000xf32, #tpu.memory_space<hbm>>) target(%dma_start3A_12 : memref<20000xf32, #tpu.memory_space<vmem>>) target_semaphore(%arg23 : memref<!tpu.dma_semaphore, #tpu.memory_space<semaphore_mem>>)
      tpu.enqueue_dma source(%arg2 : memref<20000xf32, #tpu.memory_space<hbm>>) target(%arg9 : memref<20000xf32, #tpu.memory_space<vmem>>) target_semaphore(%arg22 : memref<!tpu.dma_semaphore, #tpu.memory_space<semaphore_mem>>)
      tpu.enqueue_dma source(%arg3 : memref<20000xf32, #tpu.memory_space<hbm>>) target(%arg10 : memref<20000xf32, #tpu.memory_space<vmem>>) target_semaphore(%arg22 : memref<!tpu.dma_semaphore, #tpu.memory_space<semaphore_mem>>)
      tpu.enqueue_dma source(%arg4 : memref<20000xf32, #tpu.memory_space<hbm>>) target(%arg11 : memref<20000xf32, #tpu.memory_space<vmem>>) target_semaphore(%arg22 : memref<!tpu.dma_semaphore, #tpu.memory_space<semaphore_mem>>)
      tpu.enqueue_dma source(%arg5 : memref<20000xf32, #tpu.memory_space<hbm>>) target(%arg12 : memref<20000xf32, #tpu.memory_space<vmem>>) target_semaphore(%arg22 : memref<!tpu.dma_semaphore, #tpu.memory_space<semaphore_mem>>)
      %dma_wait3A = arith.constant 0 : i32
      %dma_wait3A_13 = tpu.memref_slice %arg8[%dma_wait3A] : memref<20224xf32, #tpu.memory_space<vmem>> -> memref<20000xf32, #tpu.memory_space<vmem>>
      %dma_wait3A_14 = arith.constant 0 : i32
      %dma_wait3A_15 = tpu.memref_slice %arg8[%dma_wait3A_14] : memref<20224xf32, #tpu.memory_space<vmem>> -> memref<20000xf32, #tpu.memory_space<vmem>>
      tpu.wait_dma2 semaphore(%arg23 : memref<!tpu.dma_semaphore, #tpu.memory_space<semaphore_mem>>) src(%arg6 : memref<20000xf32, #tpu.memory_space<hbm>>) dst(%dma_wait3A_15 : memref<20000xf32, #tpu.memory_space<vmem>>)
      %swap3A = arith.constant 20000 : index
      %swap3A_16 = tpu.vector_load %arg8[%swap3A] {strides = array<i32>} : memref<20224xf32, #tpu.memory_space<vmem>>, vector<16xf32>,
      tpu.vector_store %arg8[%swap3A], %broadcast_in_dim3A_9 {strides = array<i32>} : memref<20224xf32, #tpu.memory_space<vmem>>, vector<16xf32>,
      %swap3A_17 = arith.constant 20016 : index
      %swap3A_18 = tpu.vector_load %arg8[%swap3A_17] {strides = array<i32>} : memref<20224xf32, #tpu.memory_space<vmem>>, vector<16xf32>,
      tpu.vector_store %arg8[%swap3A_17], %broadcast_in_dim3A_9 {strides = array<i32>} : memref<20224xf32, #tpu.memory_space<vmem>>, vector<16xf32>,
      %swap3A_19 = arith.constant 20032 : index
      %swap3A_20 = tpu.vector_load %arg8[%swap3A_19] {strides = array<i32>} : memref<20224xf32, #tpu.memory_space<vmem>>, vector<16xf32>,
      tpu.vector_store %arg8[%swap3A_19], %broadcast_in_dim3A_9 {strides = array<i32>} : memref<20224xf32, #tpu.memory_space<vmem>>, vector<16xf32>,
      %swap3A_21 = arith.constant 20048 : index
      %swap3A_22 = tpu.vector_load %arg8[%swap3A_21] {strides = array<i32>} : memref<20224xf32, #tpu.memory_space<vmem>>, vector<16xf32>,
      tpu.vector_store %arg8[%swap3A_21], %broadcast_in_dim3A_9 {strides = array<i32>} : memref<20224xf32, #tpu.memory_space<vmem>>, vector<16xf32>,
      %swap3A_23 = arith.constant 20064 : index
      %swap3A_24 = tpu.vector_load %arg8[%swap3A_23] {strides = array<i32>} : memref<20224xf32, #tpu.memory_space<vmem>>, vector<16xf32>,
      tpu.vector_store %arg8[%swap3A_23], %broadcast_in_dim3A_9 {strides = array<i32>} : memref<20224xf32, #tpu.memory_space<vmem>>, vector<16xf32>,
      %swap3A_25 = arith.constant 20080 : index
      %swap3A_26 = tpu.vector_load %arg8[%swap3A_25] {strides = array<i32>} : memref<20224xf32, #tpu.memory_space<vmem>>, vector<16xf32>,
      tpu.vector_store %arg8[%swap3A_25], %broadcast_in_dim3A_9 {strides = array<i32>} : memref<20224xf32, #tpu.memory_space<vmem>>, vector<16xf32>,
      %swap3A_27 = arith.constant 20096 : index
      %swap3A_28 = tpu.vector_load %arg8[%swap3A_27] {strides = array<i32>} : memref<20224xf32, #tpu.memory_space<vmem>>, vector<16xf32>,
      tpu.vector_store %arg8[%swap3A_27], %broadcast_in_dim3A_9 {strides = array<i32>} : memref<20224xf32, #tpu.memory_space<vmem>>, vector<16xf32>,
      %swap3A_29 = arith.constant 20112 : index
      %swap3A_30 = tpu.vector_load %arg8[%swap3A_29] {strides = array<i32>} : memref<20224xf32, #tpu.memory_space<vmem>>, vector<16xf32>,
      tpu.vector_store %arg8[%swap3A_29], %broadcast_in_dim3A_9 {strides = array<i32>} : memref<20224xf32, #tpu.memory_space<vmem>>, vector<16xf32>,
      %swap3A_31 = arith.constant 20128 : index
      %swap3A_32 = tpu.vector_load %arg8[%swap3A_31] {strides = array<i32>} : memref<20224xf32, #tpu.memory_space<vmem>>, vector<16xf32>,
      tpu.vector_store %arg8[%swap3A_31], %broadcast_in_dim3A_9 {strides = array<i32>} : memref<20224xf32, #tpu.memory_space<vmem>>, vector<16xf32>,
      %swap3A_33 = arith.constant 20144 : index
      %swap3A_34 = tpu.vector_load %arg8[%swap3A_33] {strides = array<i32>} : memref<20224xf32, #tpu.memory_space<vmem>>, vector<16xf32>,
      tpu.vector_store %arg8[%swap3A_33], %broadcast_in_dim3A_9 {strides = array<i32>} : memref<20224xf32, #tpu.memory_space<vmem>>, vector<16xf32>,
      %swap3A_35 = arith.constant 20160 : index
      %swap3A_36 = tpu.vector_load %arg8[%swap3A_35] {strides = array<i32>} : memref<20224xf32, #tpu.memory_space<vmem>>, vector<16xf32>,
      tpu.vector_store %arg8[%swap3A_35], %broadcast_in_dim3A_9 {strides = array<i32>} : memref<20224xf32, #tpu.memory_space<vmem>>, vector<16xf32>,
      %swap3A_37 = arith.constant 20176 : index
      %swap3A_38 = tpu.vector_load %arg8[%swap3A_37] {strides = array<i32>} : memref<20224xf32, #tpu.memory_space<vmem>>, vector<16xf32>,
      tpu.vector_store %arg8[%swap3A_37], %broadcast_in_dim3A_9 {strides = array<i32>} : memref<20224xf32, #tpu.memory_space<vmem>>, vector<16xf32>,
      %swap3A_39 = arith.constant 20192 : index
      %swap3A_40 = tpu.vector_load %arg8[%swap3A_39] {strides = array<i32>} : memref<20224xf32, #tpu.memory_space<vmem>>, vector<16xf32>,
      tpu.vector_store %arg8[%swap3A_39], %broadcast_in_dim3A_9 {strides = array<i32>} : memref<20224xf32, #tpu.memory_space<vmem>>, vector<16xf32>,
      %swap3A_41 = arith.constant 20208 : index
      %swap3A_42 = tpu.vector_load %arg8[%swap3A_41] {strides = array<i32>} : memref<20224xf32, #tpu.memory_space<vmem>>, vector<16xf32>,
      tpu.vector_store %arg8[%swap3A_41], %broadcast_in_dim3A_9 {strides = array<i32>} : memref<20224xf32, #tpu.memory_space<vmem>>, vector<16xf32>,
      %swap3A_43 = arith.constant 1264 : index
      %swap3A_44 = tpu.vector_load %arg13[%swap3A_43] {strides = array<i32>} : memref<1280xf32, #tpu.memory_space<vmem>>, vector<16xf32>,
      tpu.vector_store %arg13[%swap3A_43], %broadcast_in_dim3A_9 {strides = array<i32>} : memref<1280xf32, #tpu.memory_space<vmem>>, vector<16xf32>,
      %scan3A = arith.constant 0 : i32
      %scan3A_45 = arith.constant 0 : i32
      %scan3A_46 = arith.constant 79 : i32
      %scan3A_47 = arith.addi %scan3A_45, %scan3A_46 : i32
      %scan3A_48 = arith.constant 1 : i32
      %scan3A_49 = scf.for %scan3A_118 = %scan3A_45 to %scan3A_47 step %scan3A_48 iter_args(%scan3A_119 = %scan3A) -> (i32)  : i32 {
        %mul3A = arith.constant 256 : i32
        %mul3A_120 = arith.muli %scan3A_118, %mul3A : i32
        %mul3A_121 = arith.constant 16 : i32
        %mul3A_122 = vector.broadcast %mul3A_121 : i32 to vector<16xi32>
        %mul3A_123 = arith.muli %iota3A, %mul3A_122 : vector<16xi32>
        %add3A = vector.broadcast %mul3A_120 : i32 to vector<16xi32>
        %add3A_124 = arith.addi %add3A, %mul3A_123 : vector<16xi32>
        %add3A_125 = arith.addi %add3A_124, %iota3A : vector<16xi32>
        %gather3A = tpu.vector_load_idx %arg8[%add3A_125] : memref<20224xf32, #tpu.memory_space<vmem>>[vector<16xi32>], vector<16xf32>,
        %mul3A_126 = arith.constant 16 : i32
        %mul3A_127 = vector.broadcast %mul3A_126 : i32 to vector<16xi32>
        %mul3A_128 = arith.muli %iota3A, %mul3A_127 : vector<16xi32>
        %add3A_129 = vector.broadcast %mul3A_120 : i32 to vector<16xi32>
        %add3A_130 = arith.addi %add3A_129, %mul3A_128 : vector<16xi32>
        %add3A_131 = arith.constant 1 : i32
        %add3A_132 = vector.broadcast %add3A_131 : i32 to vector<16xi32>
        %add3A_133 = arith.addi %iota3A, %add3A_132 : vector<16xi32>
        %and3A_134 = arith.constant 15 : i32
        %and3A_135 = vector.broadcast %and3A_134 : i32 to vector<16xi32>
        %and3A_136 = arith.andi %add3A_133, %and3A_135 : vector<16xi32>
        %add3A_137 = arith.addi %add3A_130, %and3A_136 : vector<16xi32>
        %gather3A_138 = tpu.vector_load_idx %arg8[%add3A_137] : memref<20224xf32, #tpu.memory_space<vmem>>[vector<16xi32>], vector<16xf32>,
        %max3A = arith.maximumf %gather3A, %gather3A_138 : vector<16xf32>
        %mul3A_139 = arith.constant 16 : i32
        %mul3A_140 = vector.broadcast %mul3A_139 : i32 to vector<16xi32>
        %mul3A_141 = arith.muli %iota3A, %mul3A_140 : vector<16xi32>
        %add3A_142 = vector.broadcast %mul3A_120 : i32 to vector<16xi32>
        %add3A_143 = arith.addi %add3A_142, %mul3A_141 : vector<16xi32>
        %add3A_144 = arith.constant 2 : i32
        %add3A_145 = vector.broadcast %add3A_144 : i32 to vector<16xi32>
        %add3A_146 = arith.addi %iota3A, %add3A_145 : vector<16xi32>
        %and3A_147 = arith.constant 15 : i32
        %and3A_148 = vector.broadcast %and3A_147 : i32 to vector<16xi32>
        %and3A_149 = arith.andi %add3A_146, %and3A_148 : vector<16xi32>
        %add3A_150 = arith.addi %add3A_143, %and3A_149 : vector<16xi32>
        %gather3A_151 = tpu.vector_load_idx %arg8[%add3A_150] : memref<20224xf32, #tpu.memory_space<vmem>>[vector<16xi32>], vector<16xf32>,
        %max3A_152 = arith.maximumf %max3A, %gather3A_151 : vector<16xf32>
        %mul3A_153 = arith.constant 16 : i32
        %mul3A_154 = vector.broadcast %mul3A_153 : i32 to vector<16xi32>
        %mul3A_155 = arith.muli %iota3A, %mul3A_154 : vector<16xi32>
        %add3A_156 = vector.broadcast %mul3A_120 : i32 to vector<16xi32>
        %add3A_157 = arith.addi %add3A_156, %mul3A_155 : vector<16xi32>
        %add3A_158 = arith.constant 3 : i32
        %add3A_159 = vector.broadcast %add3A_158 : i32 to vector<16xi32>
        %add3A_160 = arith.addi %iota3A, %add3A_159 : vector<16xi32>
        %and3A_161 = arith.constant 15 : i32
        %and3A_162 = vector.broadcast %and3A_161 : i32 to vector<16xi32>
        %and3A_163 = arith.andi %add3A_160, %and3A_162 : vector<16xi32>
        %add3A_164 = arith.addi %add3A_157, %and3A_163 : vector<16xi32>
        %gather3A_165 = tpu.vector_load_idx %arg8[%add3A_164] : memref<20224xf32, #tpu.memory_space<vmem>>[vector<16xi32>], vector<16xf32>,
        %max3A_166 = arith.maximumf %max3A_152, %gather3A_165 : vector<16xf32>
        %mul3A_167 = arith.constant 16 : i32
        %mul3A_168 = vector.broadcast %mul3A_167 : i32 to vector<16xi32>
        %mul3A_169 = arith.muli %iota3A, %mul3A_168 : vector<16xi32>
        %add3A_170 = vector.broadcast %mul3A_120 : i32 to vector<16xi32>
        %add3A_171 = arith.addi %add3A_170, %mul3A_169 : vector<16xi32>
        %add3A_172 = arith.constant 4 : i32
        %add3A_173 = vector.broadcast %add3A_172 : i32 to vector<16xi32>
        %add3A_174 = arith.addi %iota3A, %add3A_173 : vector<16xi32>
        %and3A_175 = arith.constant 15 : i32
        %and3A_176 = vector.broadcast %and3A_175 : i32 to vector<16xi32>
        %and3A_177 = arith.andi %add3A_174, %and3A_176 : vector<16xi32>
        %add3A_178 = arith.addi %add3A_171, %and3A_177 : vector<16xi32>
        %gather3A_179 = tpu.vector_load_idx %arg8[%add3A_178] : memref<20224xf32, #tpu.memory_space<vmem>>[vector<16xi32>], vector<16xf32>,
        %max3A_180 = arith.maximumf %max3A_166, %gather3A_179 : vector<16xf32>
        %mul3A_181 = arith.constant 16 : i32
        %mul3A_182 = vector.broadcast %mul3A_181 : i32 to vector<16xi32>
        %mul3A_183 = arith.muli %iota3A, %mul3A_182 : vector<16xi32>
        %add3A_184 = vector.broadcast %mul3A_120 : i32 to vector<16xi32>
        %add3A_185 = arith.addi %add3A_184, %mul3A_183 : vector<16xi32>
        %add3A_186 = arith.constant 5 : i32
        %add3A_187 = vector.broadcast %add3A_186 : i32 to vector<16xi32>
        %add3A_188 = arith.addi %iota3A, %add3A_187 : vector<16xi32>
        %and3A_189 = arith.constant 15 : i32
        %and3A_190 = vector.broadcast %and3A_189 : i32 to vector<16xi32>
        %and3A_191 = arith.andi %add3A_188, %and3A_190 : vector<16xi32>
        %add3A_192 = arith.addi %add3A_185, %and3A_191 : vector<16xi32>
        %gather3A_193 = tpu.vector_load_idx %arg8[%add3A_192] : memref<20224xf32, #tpu.memory_space<vmem>>[vector<16xi32>], vector<16xf32>,
        %max3A_194 = arith.maximumf %max3A_180, %gather3A_193 : vector<16xf32>
        %mul3A_195 = arith.constant 16 : i32
        %mul3A_196 = vector.broadcast %mul3A_195 : i32 to vector<16xi32>
        %mul3A_197 = arith.muli %iota3A, %mul3A_196 : vector<16xi32>
        %add3A_198 = vector.broadcast %mul3A_120 : i32 to vector<16xi32>
        %add3A_199 = arith.addi %add3A_198, %mul3A_197 : vector<16xi32>
        %add3A_200 = arith.constant 6 : i32
        %add3A_201 = vector.broadcast %add3A_200 : i32 to vector<16xi32>
        %add3A_202 = arith.addi %iota3A, %add3A_201 : vector<16xi32>
        %and3A_203 = arith.constant 15 : i32
        %and3A_204 = vector.broadcast %and3A_203 : i32 to vector<16xi32>
        %and3A_205 = arith.andi %add3A_202, %and3A_204 : vector<16xi32>
        %add3A_206 = arith.addi %add3A_199, %and3A_205 : vector<16xi32>
        %gather3A_207 = tpu.vector_load_idx %arg8[%add3A_206] : memref<20224xf32, #tpu.memory_space<vmem>>[vector<16xi32>], vector<16xf32>,
        %max3A_208 = arith.maximumf %max3A_194, %gather3A_207 : vector<16xf32>
        %mul3A_209 = arith.constant 16 : i32
        %mul3A_210 = vector.broadcast %mul3A_209 : i32 to vector<16xi32>
        %mul3A_211 = arith.muli %iota3A, %mul3A_210 : vector<16xi32>
        %add3A_212 = vector.broadcast %mul3A_120 : i32 to vector<16xi32>
        %add3A_213 = arith.addi %add3A_212, %mul3A_211 : vector<16xi32>
        %add3A_214 = arith.constant 7 : i32
        %add3A_215 = vector.broadcast %add3A_214 : i32 to vector<16xi32>
        %add3A_216 = arith.addi %iota3A, %add3A_215 : vector<16xi32>
        %and3A_217 = arith.constant 15 : i32
        %and3A_218 = vector.broadcast %and3A_217 : i32 to vector<16xi32>
        %and3A_219 = arith.andi %add3A_216, %and3A_218 : vector<16xi32>
        %add3A_220 = arith.addi %add3A_213, %and3A_219 : vector<16xi32>
        %gather3A_221 = tpu.vector_load_idx %arg8[%add3A_220] : memref<20224xf32, #tpu.memory_space<vmem>>[vector<16xi32>], vector<16xf32>,
        %max3A_222 = arith.maximumf %max3A_208, %gather3A_221 : vector<16xf32>
        %mul3A_223 = arith.constant 16 : i32
        %mul3A_224 = vector.broadcast %mul3A_223 : i32 to vector<16xi32>
        %mul3A_225 = arith.muli %iota3A, %mul3A_224 : vector<16xi32>
        %add3A_226 = vector.broadcast %mul3A_120 : i32 to vector<16xi32>
        %add3A_227 = arith.addi %add3A_226, %mul3A_225 : vector<16xi32>
        %add3A_228 = arith.constant 8 : i32
        %add3A_229 = vector.broadcast %add3A_228 : i32 to vector<16xi32>
        %add3A_230 = arith.addi %iota3A, %add3A_229 : vector<16xi32>
        %and3A_231 = arith.constant 15 : i32
        %and3A_232 = vector.broadcast %and3A_231 : i32 to vector<16xi32>
        %and3A_233 = arith.andi %add3A_230, %and3A_232 : vector<16xi32>
        %add3A_234 = arith.addi %add3A_227, %and3A_233 : vector<16xi32>
        %gather3A_235 = tpu.vector_load_idx %arg8[%add3A_234] : memref<20224xf32, #tpu.memory_space<vmem>>[vector<16xi32>], vector<16xf32>,
        %max3A_236 = arith.maximumf %max3A_222, %gather3A_235 : vector<16xf32>
        %mul3A_237 = arith.constant 16 : i32
        %mul3A_238 = vector.broadcast %mul3A_237 : i32 to vector<16xi32>
        %mul3A_239 = arith.muli %iota3A, %mul3A_238 : vector<16xi32>
        %add3A_240 = vector.broadcast %mul3A_120 : i32 to vector<16xi32>
        %add3A_241 = arith.addi %add3A_240, %mul3A_239 : vector<16xi32>
        %add3A_242 = arith.constant 9 : i32
        %add3A_243 = vector.broadcast %add3A_242 : i32 to vector<16xi32>
        %add3A_244 = arith.addi %iota3A, %add3A_243 : vector<16xi32>
        %and3A_245 = arith.constant 15 : i32
        %and3A_246 = vector.broadcast %and3A_245 : i32 to vector<16xi32>
        %and3A_247 = arith.andi %add3A_244, %and3A_246 : vector<16xi32>
        %add3A_248 = arith.addi %add3A_241, %and3A_247 : vector<16xi32>
        %gather3A_249 = tpu.vector_load_idx %arg8[%add3A_248] : memref<20224xf32, #tpu.memory_space<vmem>>[vector<16xi32>], vector<16xf32>,
        %max3A_250 = arith.maximumf %max3A_236, %gather3A_249 : vector<16xf32>
        %mul3A_251 = arith.constant 16 : i32
        %mul3A_252 = vector.broadcast %mul3A_251 : i32 to vector<16xi32>
        %mul3A_253 = arith.muli %iota3A, %mul3A_252 : vector<16xi32>
        %add3A_254 = vector.broadcast %mul3A_120 : i32 to vector<16xi32>
        %add3A_255 = arith.addi %add3A_254, %mul3A_253 : vector<16xi32>
        %add3A_256 = arith.constant 10 : i32
        %add3A_257 = vector.broadcast %add3A_256 : i32 to vector<16xi32>
        %add3A_258 = arith.addi %iota3A, %add3A_257 : vector<16xi32>
        %and3A_259 = arith.constant 15 : i32
        %and3A_260 = vector.broadcast %and3A_259 : i32 to vector<16xi32>
        %and3A_261 = arith.andi %add3A_258, %and3A_260 : vector<16xi32>
        %add3A_262 = arith.addi %add3A_255, %and3A_261 : vector<16xi32>
        %gather3A_263 = tpu.vector_load_idx %arg8[%add3A_262] : memref<20224xf32, #tpu.memory_space<vmem>>[vector<16xi32>], vector<16xf32>,
        %max3A_264 = arith.maximumf %max3A_250, %gather3A_263 : vector<16xf32>
        %mul3A_265 = arith.constant 16 : i32
        %mul3A_266 = vector.broadcast %mul3A_265 : i32 to vector<16xi32>
        %mul3A_267 = arith.muli %iota3A, %mul3A_266 : vector<16xi32>
        %add3A_268 = vector.broadcast %mul3A_120 : i32 to vector<16xi32>
        %add3A_269 = arith.addi %add3A_268, %mul3A_267 : vector<16xi32>
        %add3A_270 = arith.constant 11 : i32
        %add3A_271 = vector.broadcast %add3A_270 : i32 to vector<16xi32>
        %add3A_272 = arith.addi %iota3A, %add3A_271 : vector<16xi32>
        %and3A_273 = arith.constant 15 : i32
        %and3A_274 = vector.broadcast %and3A_273 : i32 to vector<16xi32>
        %and3A_275 = arith.andi %add3A_272, %and3A_274 : vector<16xi32>
        %add3A_276 = arith.addi %add3A_269, %and3A_275 : vector<16xi32>
        %gather3A_277 = tpu.vector_load_idx %arg8[%add3A_276] : memref<20224xf32, #tpu.memory_space<vmem>>[vector<16xi32>], vector<16xf32>,
        %max3A_278 = arith.maximumf %max3A_264, %gather3A_277 : vector<16xf32>
        %mul3A_279 = arith.constant 16 : i32
        %mul3A_280 = vector.broadcast %mul3A_279 : i32 to vector<16xi32>
        %mul3A_281 = arith.muli %iota3A, %mul3A_280 : vector<16xi32>
        %add3A_282 = vector.broadcast %mul3A_120 : i32 to vector<16xi32>
        %add3A_283 = arith.addi %add3A_282, %mul3A_281 : vector<16xi32>
        %add3A_284 = arith.constant 12 : i32
        %add3A_285 = vector.broadcast %add3A_284 : i32 to vector<16xi32>
        %add3A_286 = arith.addi %iota3A, %add3A_285 : vector<16xi32>
        %and3A_287 = arith.constant 15 : i32
        %and3A_288 = vector.broadcast %and3A_287 : i32 to vector<16xi32>
        %and3A_289 = arith.andi %add3A_286, %and3A_288 : vector<16xi32>
        %add3A_290 = arith.addi %add3A_283, %and3A_289 : vector<16xi32>
        %gather3A_291 = tpu.vector_load_idx %arg8[%add3A_290] : memref<20224xf32, #tpu.memory_space<vmem>>[vector<16xi32>], vector<16xf32>,
        %max3A_292 = arith.maximumf %max3A_278, %gather3A_291 : vector<16xf32>
        %mul3A_293 = arith.constant 16 : i32
        %mul3A_294 = vector.broadcast %mul3A_293 : i32 to vector<16xi32>
        %mul3A_295 = arith.muli %iota3A, %mul3A_294 : vector<16xi32>
        %add3A_296 = vector.broadcast %mul3A_120 : i32 to vector<16xi32>
        %add3A_297 = arith.addi %add3A_296, %mul3A_295 : vector<16xi32>
        %add3A_298 = arith.constant 13 : i32
        %add3A_299 = vector.broadcast %add3A_298 : i32 to vector<16xi32>
        %add3A_300 = arith.addi %iota3A, %add3A_299 : vector<16xi32>
        %and3A_301 = arith.constant 15 : i32
        %and3A_302 = vector.broadcast %and3A_301 : i32 to vector<16xi32>
        %and3A_303 = arith.andi %add3A_300, %and3A_302 : vector<16xi32>
        %add3A_304 = arith.addi %add3A_297, %and3A_303 : vector<16xi32>
        %gather3A_305 = tpu.vector_load_idx %arg8[%add3A_304] : memref<20224xf32, #tpu.memory_space<vmem>>[vector<16xi32>], vector<16xf32>,
        %max3A_306 = arith.maximumf %max3A_292, %gather3A_305 : vector<16xf32>
        %mul3A_307 = arith.constant 16 : i32
        %mul3A_308 = vector.broadcast %mul3A_307 : i32 to vector<16xi32>
        %mul3A_309 = arith.muli %iota3A, %mul3A_308 : vector<16xi32>
        %add3A_310 = vector.broadcast %mul3A_120 : i32 to vector<16xi32>
        %add3A_311 = arith.addi %add3A_310, %mul3A_309 : vector<16xi32>
        %add3A_312 = arith.constant 14 : i32
        %add3A_313 = vector.broadcast %add3A_312 : i32 to vector<16xi32>
        %add3A_314 = arith.addi %iota3A, %add3A_313 : vector<16xi32>
        %and3A_315 = arith.constant 15 : i32
        %and3A_316 = vector.broadcast %and3A_315 : i32 to vector<16xi32>
        %and3A_317 = arith.andi %add3A_314, %and3A_316 : vector<16xi32>
        %add3A_318 = arith.addi %add3A_311, %and3A_317 : vector<16xi32>
        %gather3A_319 = tpu.vector_load_idx %arg8[%add3A_318] : memref<20224xf32, #tpu.memory_space<vmem>>[vector<16xi32>], vector<16xf32>,
        %max3A_320 = arith.maximumf %max3A_306, %gather3A_319 : vector<16xf32>
        %mul3A_321 = arith.constant 16 : i32
        %mul3A_322 = vector.broadcast %mul3A_321 : i32 to vector<16xi32>
        %mul3A_323 = arith.muli %iota3A, %mul3A_322 : vector<16xi32>
        %add3A_324 = vector.broadcast %mul3A_120 : i32 to vector<16xi32>
        %add3A_325 = arith.addi %add3A_324, %mul3A_323 : vector<16xi32>
        %add3A_326 = arith.constant 15 : i32
        %add3A_327 = vector.broadcast %add3A_326 : i32 to vector<16xi32>
        %add3A_328 = arith.addi %iota3A, %add3A_327 : vector<16xi32>
        %and3A_329 = arith.constant 15 : i32
        %and3A_330 = vector.broadcast %and3A_329 : i32 to vector<16xi32>
        %and3A_331 = arith.andi %add3A_328, %and3A_330 : vector<16xi32>
        %add3A_332 = arith.addi %add3A_325, %and3A_331 : vector<16xi32>
        %gather3A_333 = tpu.vector_load_idx %arg8[%add3A_332] : memref<20224xf32, #tpu.memory_space<vmem>>[vector<16xi32>], vector<16xf32>,
        %max3A_334 = arith.maximumf %max3A_320, %gather3A_333 : vector<16xf32>
        %gt3A = arith.constant 5.000000e-02 : f32
        %gt3A_335 = vector.broadcast %gt3A : f32 to vector<16xf32>
        %gt3A_336 = arith.cmpf ogt, %max3A_334, %gt3A_335 : vector<16xf32>
        %lt3A_337 = arith.constant -1.000000e+30 : f32
        %lt3A_338 = vector.broadcast %lt3A_337 : f32 to vector<16xf32>
        %lt3A_339 = arith.cmpf olt, %max3A_334, %lt3A_338 : vector<16xf32>
        %jit3A = arith.constant 0xFF800000 : f32
        %jit3A_340 = arith.constant -1.000000e+09 : f32
        %broadcast_in_dim3A_341 = vector.broadcast %jit3A : f32 to vector<16xf32>
        %broadcast_in_dim3A_342 = vector.broadcast %jit3A_340 : f32 to vector<16xf32>
        %select_n3A_343 = arith.select %lt3A_339, %broadcast_in_dim3A_341, %broadcast_in_dim3A_342 : vector<16xi1>, vector<16xf32>
        %select_n3A_344 = arith.select %gt3A_336, %max3A_334, %select_n3A_343 : vector<16xi1>, vector<16xf32>
        %mul3A_345 = arith.constant 16 : i32
        %mul3A_346 = arith.muli %scan3A_118, %mul3A_345 : i32
        %swap3A_347 = arith.index_cast %mul3A_346 : i32 to index
        %swap3A_348 = tpu.vector_load %arg13[%swap3A_347] {strides = array<i32>} : memref<1280xf32, #tpu.memory_space<vmem>>, vector<16xf32>,
        tpu.vector_store %arg13[%swap3A_347], %select_n3A_344 {strides = array<i32>} : memref<1280xf32, #tpu.memory_space<vmem>>, vector<16xf32>,
        %scan3A_349 = arith.constant 0 : i32
        scf.yield %scan3A_349 : i32
      }
      %scan3A_50 = arith.constant 79 : i32
      %scan3A_51 = arith.constant 0 : i32
      %scan3A_52 = arith.constant 0 : i32
      %scan3A_53 = arith.constant 5 : i32
      %scan3A_54 = arith.addi %scan3A_52, %scan3A_53 : i32
      %scan3A_55 = arith.constant 1 : i32
      %scan3A_56 = scf.for %scan3A_118 = %scan3A_52 to %scan3A_54 step %scan3A_55 iter_args(%scan3A_119 = %scan3A_51) -> (i32)  : i32 {
        %mul3A = arith.constant 256 : i32
        %mul3A_120 = arith.muli %scan3A_118, %mul3A : i32
        %mul3A_121 = arith.constant 16 : i32
        %mul3A_122 = vector.broadcast %mul3A_121 : i32 to vector<16xi32>
        %mul3A_123 = arith.muli %iota3A, %mul3A_122 : vector<16xi32>
        %add3A = vector.broadcast %mul3A_120 : i32 to vector<16xi32>
        %add3A_124 = arith.addi %add3A, %mul3A_123 : vector<16xi32>
        %add3A_125 = arith.addi %add3A_124, %iota3A : vector<16xi32>
        %gather3A = tpu.vector_load_idx %arg13[%add3A_125] : memref<1280xf32, #tpu.memory_space<vmem>>[vector<16xi32>], vector<16xf32>,
        %mul3A_126 = arith.constant 16 : i32
        %mul3A_127 = vector.broadcast %mul3A_126 : i32 to vector<16xi32>
        %mul3A_128 = arith.muli %iota3A, %mul3A_127 : vector<16xi32>
        %add3A_129 = vector.broadcast %mul3A_120 : i32 to vector<16xi32>
        %add3A_130 = arith.addi %add3A_129, %mul3A_128 : vector<16xi32>
        %add3A_131 = arith.constant 1 : i32
        %add3A_132 = vector.broadcast %add3A_131 : i32 to vector<16xi32>
        %add3A_133 = arith.addi %iota3A, %add3A_132 : vector<16xi32>
        %and3A_134 = arith.constant 15 : i32
        %and3A_135 = vector.broadcast %and3A_134 : i32 to vector<16xi32>
        %and3A_136 = arith.andi %add3A_133, %and3A_135 : vector<16xi32>
        %add3A_137 = arith.addi %add3A_130, %and3A_136 : vector<16xi32>
        %gather3A_138 = tpu.vector_load_idx %arg13[%add3A_137] : memref<1280xf32, #tpu.memory_space<vmem>>[vector<16xi32>], vector<16xf32>,
        %max3A = arith.maximumf %gather3A, %gather3A_138 : vector<16xf32>
        %mul3A_139 = arith.constant 16 : i32
        %mul3A_140 = vector.broadcast %mul3A_139 : i32 to vector<16xi32>
        %mul3A_141 = arith.muli %iota3A, %mul3A_140 : vector<16xi32>
        %add3A_142 = vector.broadcast %mul3A_120 : i32 to vector<16xi32>
        %add3A_143 = arith.addi %add3A_142, %mul3A_141 : vector<16xi32>
        %add3A_144 = arith.constant 2 : i32
        %add3A_145 = vector.broadcast %add3A_144 : i32 to vector<16xi32>
        %add3A_146 = arith.addi %iota3A, %add3A_145 : vector<16xi32>
        %and3A_147 = arith.constant 15 : i32
        %and3A_148 = vector.broadcast %and3A_147 : i32 to vector<16xi32>
        %and3A_149 = arith.andi %add3A_146, %and3A_148 : vector<16xi32>
        %add3A_150 = arith.addi %add3A_143, %and3A_149 : vector<16xi32>
        %gather3A_151 = tpu.vector_load_idx %arg13[%add3A_150] : memref<1280xf32, #tpu.memory_space<vmem>>[vector<16xi32>], vector<16xf32>,
        %max3A_152 = arith.maximumf %max3A, %gather3A_151 : vector<16xf32>
        %mul3A_153 = arith.constant 16 : i32
        %mul3A_154 = vector.broadcast %mul3A_153 : i32 to vector<16xi32>
        %mul3A_155 = arith.muli %iota3A, %mul3A_154 : vector<16xi32>
        %add3A_156 = vector.broadcast %mul3A_120 : i32 to vector<16xi32>
        %add3A_157 = arith.addi %add3A_156, %mul3A_155 : vector<16xi32>
        %add3A_158 = arith.constant 3 : i32
        %add3A_159 = vector.broadcast %add3A_158 : i32 to vector<16xi32>
        %add3A_160 = arith.addi %iota3A, %add3A_159 : vector<16xi32>
        %and3A_161 = arith.constant 15 : i32
        %and3A_162 = vector.broadcast %and3A_161 : i32 to vector<16xi32>
        %and3A_163 = arith.andi %add3A_160, %and3A_162 : vector<16xi32>
        %add3A_164 = arith.addi %add3A_157, %and3A_163 : vector<16xi32>
        %gather3A_165 = tpu.vector_load_idx %arg13[%add3A_164] : memref<1280xf32, #tpu.memory_space<vmem>>[vector<16xi32>], vector<16xf32>,
        %max3A_166 = arith.maximumf %max3A_152, %gather3A_165 : vector<16xf32>
        %mul3A_167 = arith.constant 16 : i32
        %mul3A_168 = vector.broadcast %mul3A_167 : i32 to vector<16xi32>
        %mul3A_169 = arith.muli %iota3A, %mul3A_168 : vector<16xi32>
        %add3A_170 = vector.broadcast %mul3A_120 : i32 to vector<16xi32>
        %add3A_171 = arith.addi %add3A_170, %mul3A_169 : vector<16xi32>
        %add3A_172 = arith.constant 4 : i32
        %add3A_173 = vector.broadcast %add3A_172 : i32 to vector<16xi32>
        %add3A_174 = arith.addi %iota3A, %add3A_173 : vector<16xi32>
        %and3A_175 = arith.constant 15 : i32
        %and3A_176 = vector.broadcast %and3A_175 : i32 to vector<16xi32>
        %and3A_177 = arith.andi %add3A_174, %and3A_176 : vector<16xi32>
        %add3A_178 = arith.addi %add3A_171, %and3A_177 : vector<16xi32>
        %gather3A_179 = tpu.vector_load_idx %arg13[%add3A_178] : memref<1280xf32, #tpu.memory_space<vmem>>[vector<16xi32>], vector<16xf32>,
        %max3A_180 = arith.maximumf %max3A_166, %gather3A_179 : vector<16xf32>
        %mul3A_181 = arith.constant 16 : i32
        %mul3A_182 = vector.broadcast %mul3A_181 : i32 to vector<16xi32>
        %mul3A_183 = arith.muli %iota3A, %mul3A_182 : vector<16xi32>
        %add3A_184 = vector.broadcast %mul3A_120 : i32 to vector<16xi32>
        %add3A_185 = arith.addi %add3A_184, %mul3A_183 : vector<16xi32>
        %add3A_186 = arith.constant 5 : i32
        %add3A_187 = vector.broadcast %add3A_186 : i32 to vector<16xi32>
        %add3A_188 = arith.addi %iota3A, %add3A_187 : vector<16xi32>
        %and3A_189 = arith.constant 15 : i32
        %and3A_190 = vector.broadcast %and3A_189 : i32 to vector<16xi32>
        %and3A_191 = arith.andi %add3A_188, %and3A_190 : vector<16xi32>
        %add3A_192 = arith.addi %add3A_185, %and3A_191 : vector<16xi32>
        %gather3A_193 = tpu.vector_load_idx %arg13[%add3A_192] : memref<1280xf32, #tpu.memory_space<vmem>>[vector<16xi32>], vector<16xf32>,
        %max3A_194 = arith.maximumf %max3A_180, %gather3A_193 : vector<16xf32>
        %mul3A_195 = arith.constant 16 : i32
        %mul3A_196 = vector.broadcast %mul3A_195 : i32 to vector<16xi32>
        %mul3A_197 = arith.muli %iota3A, %mul3A_196 : vector<16xi32>
        %add3A_198 = vector.broadcast %mul3A_120 : i32 to vector<16xi32>
        %add3A_199 = arith.addi %add3A_198, %mul3A_197 : vector<16xi32>
        %add3A_200 = arith.constant 6 : i32
        %add3A_201 = vector.broadcast %add3A_200 : i32 to vector<16xi32>
        %add3A_202 = arith.addi %iota3A, %add3A_201 : vector<16xi32>
        %and3A_203 = arith.constant 15 : i32
        %and3A_204 = vector.broadcast %and3A_203 : i32 to vector<16xi32>
        %and3A_205 = arith.andi %add3A_202, %and3A_204 : vector<16xi32>
        %add3A_206 = arith.addi %add3A_199, %and3A_205 : vector<16xi32>
        %gather3A_207 = tpu.vector_load_idx %arg13[%add3A_206] : memref<1280xf32, #tpu.memory_space<vmem>>[vector<16xi32>], vector<16xf32>,
        %max3A_208 = arith.maximumf %max3A_194, %gather3A_207 : vector<16xf32>
        %mul3A_209 = arith.constant 16 : i32
        %mul3A_210 = vector.broadcast %mul3A_209 : i32 to vector<16xi32>
        %mul3A_211 = arith.muli %iota3A, %mul3A_210 : vector<16xi32>
        %add3A_212 = vector.broadcast %mul3A_120 : i32 to vector<16xi32>
        %add3A_213 = arith.addi %add3A_212, %mul3A_211 : vector<16xi32>
        %add3A_214 = arith.constant 7 : i32
        %add3A_215 = vector.broadcast %add3A_214 : i32 to vector<16xi32>
        %add3A_216 = arith.addi %iota3A, %add3A_215 : vector<16xi32>
        %and3A_217 = arith.constant 15 : i32
        %and3A_218 = vector.broadcast %and3A_217 : i32 to vector<16xi32>
        %and3A_219 = arith.andi %add3A_216, %and3A_218 : vector<16xi32>
        %add3A_220 = arith.addi %add3A_213, %and3A_219 : vector<16xi32>
        %gather3A_221 = tpu.vector_load_idx %arg13[%add3A_220] : memref<1280xf32, #tpu.memory_space<vmem>>[vector<16xi32>], vector<16xf32>,
        %max3A_222 = arith.maximumf %max3A_208, %gather3A_221 : vector<16xf32>
        %mul3A_223 = arith.constant 16 : i32
        %mul3A_224 = vector.broadcast %mul3A_223 : i32 to vector<16xi32>
        %mul3A_225 = arith.muli %iota3A, %mul3A_224 : vector<16xi32>
        %add3A_226 = vector.broadcast %mul3A_120 : i32 to vector<16xi32>
        %add3A_227 = arith.addi %add3A_226, %mul3A_225 : vector<16xi32>
        %add3A_228 = arith.constant 8 : i32
        %add3A_229 = vector.broadcast %add3A_228 : i32 to vector<16xi32>
        %add3A_230 = arith.addi %iota3A, %add3A_229 : vector<16xi32>
        %and3A_231 = arith.constant 15 : i32
        %and3A_232 = vector.broadcast %and3A_231 : i32 to vector<16xi32>
        %and3A_233 = arith.andi %add3A_230, %and3A_232 : vector<16xi32>
        %add3A_234 = arith.addi %add3A_227, %and3A_233 : vector<16xi32>
        %gather3A_235 = tpu.vector_load_idx %arg13[%add3A_234] : memref<1280xf32, #tpu.memory_space<vmem>>[vector<16xi32>], vector<16xf32>,
        %max3A_236 = arith.maximumf %max3A_222, %gather3A_235 : vector<16xf32>
        %mul3A_237 = arith.constant 16 : i32
        %mul3A_238 = vector.broadcast %mul3A_237 : i32 to vector<16xi32>
        %mul3A_239 = arith.muli %iota3A, %mul3A_238 : vector<16xi32>
        %add3A_240 = vector.broadcast %mul3A_120 : i32 to vector<16xi32>
        %add3A_241 = arith.addi %add3A_240, %mul3A_239 : vector<16xi32>
        %add3A_242 = arith.constant 9 : i32
        %add3A_243 = vector.broadcast %add3A_242 : i32 to vector<16xi32>
        %add3A_244 = arith.addi %iota3A, %add3A_243 : vector<16xi32>
        %and3A_245 = arith.constant 15 : i32
        %and3A_246 = vector.broadcast %and3A_245 : i32 to vector<16xi32>
        %and3A_247 = arith.andi %add3A_244, %and3A_246 : vector<16xi32>
        %add3A_248 = arith.addi %add3A_241, %and3A_247 : vector<16xi32>
        %gather3A_249 = tpu.vector_load_idx %arg13[%add3A_248] : memref<1280xf32, #tpu.memory_space<vmem>>[vector<16xi32>], vector<16xf32>,
        %max3A_250 = arith.maximumf %max3A_236, %gather3A_249 : vector<16xf32>
        %mul3A_251 = arith.constant 16 : i32
        %mul3A_252 = vector.broadcast %mul3A_251 : i32 to vector<16xi32>
        %mul3A_253 = arith.muli %iota3A, %mul3A_252 : vector<16xi32>
        %add3A_254 = vector.broadcast %mul3A_120 : i32 to vector<16xi32>
        %add3A_255 = arith.addi %add3A_254, %mul3A_253 : vector<16xi32>
        %add3A_256 = arith.constant 10 : i32
        %add3A_257 = vector.broadcast %add3A_256 : i32 to vector<16xi32>
        %add3A_258 = arith.addi %iota3A, %add3A_257 : vector<16xi32>
        %and3A_259 = arith.constant 15 : i32
        %and3A_260 = vector.broadcast %and3A_259 : i32 to vector<16xi32>
        %and3A_261 = arith.andi %add3A_258, %and3A_260 : vector<16xi32>
        %add3A_262 = arith.addi %add3A_255, %and3A_261 : vector<16xi32>
        %gather3A_263 = tpu.vector_load_idx %arg13[%add3A_262] : memref<1280xf32, #tpu.memory_space<vmem>>[vector<16xi32>], vector<16xf32>,
        %max3A_264 = arith.maximumf %max3A_250, %gather3A_263 : vector<16xf32>
        %mul3A_265 = arith.constant 16 : i32
        %mul3A_266 = vector.broadcast %mul3A_265 : i32 to vector<16xi32>
        %mul3A_267 = arith.muli %iota3A, %mul3A_266 : vector<16xi32>
        %add3A_268 = vector.broadcast %mul3A_120 : i32 to vector<16xi32>
        %add3A_269 = arith.addi %add3A_268, %mul3A_267 : vector<16xi32>
        %add3A_270 = arith.constant 11 : i32
        %add3A_271 = vector.broadcast %add3A_270 : i32 to vector<16xi32>
        %add3A_272 = arith.addi %iota3A, %add3A_271 : vector<16xi32>
        %and3A_273 = arith.constant 15 : i32
        %and3A_274 = vector.broadcast %and3A_273 : i32 to vector<16xi32>
        %and3A_275 = arith.andi %add3A_272, %and3A_274 : vector<16xi32>
        %add3A_276 = arith.addi %add3A_269, %and3A_275 : vector<16xi32>
        %gather3A_277 = tpu.vector_load_idx %arg13[%add3A_276] : memref<1280xf32, #tpu.memory_space<vmem>>[vector<16xi32>], vector<16xf32>,
        %max3A_278 = arith.maximumf %max3A_264, %gather3A_277 : vector<16xf32>
        %mul3A_279 = arith.constant 16 : i32
        %mul3A_280 = vector.broadcast %mul3A_279 : i32 to vector<16xi32>
        %mul3A_281 = arith.muli %iota3A, %mul3A_280 : vector<16xi32>
        %add3A_282 = vector.broadcast %mul3A_120 : i32 to vector<16xi32>
        %add3A_283 = arith.addi %add3A_282, %mul3A_281 : vector<16xi32>
        %add3A_284 = arith.constant 12 : i32
        %add3A_285 = vector.broadcast %add3A_284 : i32 to vector<16xi32>
        %add3A_286 = arith.addi %iota3A, %add3A_285 : vector<16xi32>
        %and3A_287 = arith.constant 15 : i32
        %and3A_288 = vector.broadcast %and3A_287 : i32 to vector<16xi32>
        %and3A_289 = arith.andi %add3A_286, %and3A_288 : vector<16xi32>
        %add3A_290 = arith.addi %add3A_283, %and3A_289 : vector<16xi32>
        %gather3A_291 = tpu.vector_load_idx %arg13[%add3A_290] : memref<1280xf32, #tpu.memory_space<vmem>>[vector<16xi32>], vector<16xf32>,
        %max3A_292 = arith.maximumf %max3A_278, %gather3A_291 : vector<16xf32>
        %mul3A_293 = arith.constant 16 : i32
        %mul3A_294 = vector.broadcast %mul3A_293 : i32 to vector<16xi32>
        %mul3A_295 = arith.muli %iota3A, %mul3A_294 : vector<16xi32>
        %add3A_296 = vector.broadcast %mul3A_120 : i32 to vector<16xi32>
        %add3A_297 = arith.addi %add3A_296, %mul3A_295 : vector<16xi32>
        %add3A_298 = arith.constant 13 : i32
        %add3A_299 = vector.broadcast %add3A_298 : i32 to vector<16xi32>
        %add3A_300 = arith.addi %iota3A, %add3A_299 : vector<16xi32>
        %and3A_301 = arith.constant 15 : i32
        %and3A_302 = vector.broadcast %and3A_301 : i32 to vector<16xi32>
        %and3A_303 = arith.andi %add3A_300, %and3A_302 : vector<16xi32>
        %add3A_304 = arith.addi %add3A_297, %and3A_303 : vector<16xi32>
        %gather3A_305 = tpu.vector_load_idx %arg13[%add3A_304] : memref<1280xf32, #tpu.memory_space<vmem>>[vector<16xi32>], vector<16xf32>,
        %max3A_306 = arith.maximumf %max3A_292, %gather3A_305 : vector<16xf32>
        %mul3A_307 = arith.constant 16 : i32
        %mul3A_308 = vector.broadcast %mul3A_307 : i32 to vector<16xi32>
        %mul3A_309 = arith.muli %iota3A, %mul3A_308 : vector<16xi32>
        %add3A_310 = vector.broadcast %mul3A_120 : i32 to vector<16xi32>
        %add3A_311 = arith.addi %add3A_310, %mul3A_309 : vector<16xi32>
        %add3A_312 = arith.constant 14 : i32
        %add3A_313 = vector.broadcast %add3A_312 : i32 to vector<16xi32>
        %add3A_314 = arith.addi %iota3A, %add3A_313 : vector<16xi32>
        %and3A_315 = arith.constant 15 : i32
        %and3A_316 = vector.broadcast %and3A_315 : i32 to vector<16xi32>
        %and3A_317 = arith.andi %add3A_314, %and3A_316 : vector<16xi32>
        %add3A_318 = arith.addi %add3A_311, %and3A_317 : vector<16xi32>
        %gather3A_319 = tpu.vector_load_idx %arg13[%add3A_318] : memref<1280xf32, #tpu.memory_space<vmem>>[vector<16xi32>], vector<16xf32>,
        %max3A_320 = arith.maximumf %max3A_306, %gather3A_319 : vector<16xf32>
        %mul3A_321 = arith.constant 16 : i32
        %mul3A_322 = vector.broadcast %mul3A_321 : i32 to vector<16xi32>
        %mul3A_323 = arith.muli %iota3A, %mul3A_322 : vector<16xi32>
        %add3A_324 = vector.broadcast %mul3A_120 : i32 to vector<16xi32>
        %add3A_325 = arith.addi %add3A_324, %mul3A_323 : vector<16xi32>
        %add3A_326 = arith.constant 15 : i32
        %add3A_327 = vector.broadcast %add3A_326 : i32 to vector<16xi32>
        %add3A_328 = arith.addi %iota3A, %add3A_327 : vector<16xi32>
        %and3A_329 = arith.constant 15 : i32
        %and3A_330 = vector.broadcast %and3A_329 : i32 to vector<16xi32>
        %and3A_331 = arith.andi %add3A_328, %and3A_330 : vector<16xi32>
        %add3A_332 = arith.addi %add3A_325, %and3A_331 : vector<16xi32>
        %gather3A_333 = tpu.vector_load_idx %arg13[%add3A_332] : memref<1280xf32, #tpu.memory_space<vmem>>[vector<16xi32>], vector<16xf32>,
        %max3A_334 = arith.maximumf %max3A_320, %gather3A_333 : vector<16xf32>
        %mul3A_335 = arith.constant 16 : i32
        %mul3A_336 = arith.muli %scan3A_118, %mul3A_335 : i32
        %swap3A_337 = arith.index_cast %mul3A_336 : i32 to index
        %swap3A_338 = tpu.vector_load %arg14[%swap3A_337] {strides = array<i32>} : memref<80xf32, #tpu.memory_space<vmem>>, vector<16xf32>,
        tpu.vector_store %arg14[%swap3A_337], %max3A_334 {strides = array<i32>} : memref<80xf32, #tpu.memory_space<vmem>>, vector<16xf32>,
        %scan3A_339 = arith.constant 0 : i32
        scf.yield %scan3A_339 : i32
      }
      %scan3A_57 = arith.constant 5 : i32
      %get3A = arith.constant 0 : index
      %get3A_58 = tpu.vector_load %arg14[%get3A] {strides = array<i32>} : memref<80xf32, #tpu.memory_space<vmem>>, vector<16xf32>,
      %reduce_max3A = arith.constant true
      %reduce_max3A_59 = vector.broadcast %reduce_max3A : i1 to vector<16xi1>
      %reduce_max3A_60 = tpu.scan <max>, %get3A_58 masked %reduce_max3A_59 : vector<16xf32>, vector<16xi1> -> vector<16xf32>
      %reduce_max3A_61 = vector.extract %reduce_max3A_60[15] : f32 from vector<16xf32>
      %eq3A_62 = arith.constant 0 : i32
      %eq3A_63 = vector.broadcast %eq3A_62 : i32 to vector<16xi32>
      %eq3A_64 = arith.cmpi eq, %iota3A, %eq3A_63 : vector<16xi32>
      %broadcast_in_dim3A_65 = vector.broadcast %reduce_max3A_61 : f32 to vector<16xf32>
      %select_n3A = arith.select %eq3A_64, %broadcast_in_dim3A_65, %broadcast_in_dim3A_9 : vector<16xi1>, vector<16xf32>
      %get3A_66 = arith.constant 16 : index
      %get3A_67 = tpu.vector_load %arg14[%get3A_66] {strides = array<i32>} : memref<80xf32, #tpu.memory_space<vmem>>, vector<16xf32>,
      %reduce_max3A_68 = arith.constant true
      %reduce_max3A_69 = vector.broadcast %reduce_max3A_68 : i1 to vector<16xi1>
      %reduce_max3A_70 = tpu.scan <max>, %get3A_67 masked %reduce_max3A_69 : vector<16xf32>, vector<16xi1> -> vector<16xf32>
      %reduce_max3A_71 = vector.extract %reduce_max3A_70[15] : f32 from vector<16xf32>
      %eq3A_72 = arith.constant 1 : i32
      %eq3A_73 = vector.broadcast %eq3A_72 : i32 to vector<16xi32>
      %eq3A_74 = arith.cmpi eq, %iota3A, %eq3A_73 : vector<16xi32>
      %broadcast_in_dim3A_75 = vector.broadcast %reduce_max3A_71 : f32 to vector<16xf32>
      %select_n3A_76 = arith.select %eq3A_74, %broadcast_in_dim3A_75, %select_n3A : vector<16xi1>, vector<16xf32>
      %get3A_77 = arith.constant 32 : index
      %get3A_78 = tpu.vector_load %arg14[%get3A_77] {strides = array<i32>} : memref<80xf32, #tpu.memory_space<vmem>>, vector<16xf32>,
      %reduce_max3A_79 = arith.constant true
      %reduce_max3A_80 = vector.broadcast %reduce_max3A_79 : i1 to vector<16xi1>
      %reduce_max3A_81 = tpu.scan <max>, %get3A_78 masked %reduce_max3A_80 : vector<16xf32>, vector<16xi1> -> vector<16xf32>
      %reduce_max3A_82 = vector.extract %reduce_max3A_81[15] : f32 from vector<16xf32>
      %eq3A_83 = arith.constant 2 : i32
      %eq3A_84 = vector.broadcast %eq3A_83 : i32 to vector<16xi32>
      %eq3A_85 = arith.cmpi eq, %iota3A, %eq3A_84 : vector<16xi32>
      %broadcast_in_dim3A_86 = vector.broadcast %reduce_max3A_82 : f32 to vector<16xf32>
      %select_n3A_87 = arith.select %eq3A_85, %broadcast_in_dim3A_86, %select_n3A_76 : vector<16xi1>, vector<16xf32>
      %get3A_88 = arith.constant 48 : index
      %get3A_89 = tpu.vector_load %arg14[%get3A_88] {strides = array<i32>} : memref<80xf32, #tpu.memory_space<vmem>>, vector<16xf32>,
      %reduce_max3A_90 = arith.constant true
      %reduce_max3A_91 = vector.broadcast %reduce_max3A_90 : i1 to vector<16xi1>
      %reduce_max3A_92 = tpu.scan <max>, %get3A_89 masked %reduce_max3A_91 : vector<16xf32>, vector<16xi1> -> vector<16xf32>
      %reduce_max3A_93 = vector.extract %reduce_max3A_92[15] : f32 from vector<16xf32>
      %eq3A_94 = arith.constant 3 : i32
      %eq3A_95 = vector.broadcast %eq3A_94 : i32 to vector<16xi32>
      %eq3A_96 = arith.cmpi eq, %iota3A, %eq3A_95 : vector<16xi32>
      %broadcast_in_dim3A_97 = vector.broadcast %reduce_max3A_93 : f32 to vector<16xf32>
      %select_n3A_98 = arith.select %eq3A_96, %broadcast_in_dim3A_97, %select_n3A_87 : vector<16xi1>, vector<16xf32>
      %get3A_99 = arith.constant 64 : index
      %get3A_100 = tpu.vector_load %arg14[%get3A_99] {strides = array<i32>} : memref<80xf32, #tpu.memory_space<vmem>>, vector<16xf32>,
      %reduce_max3A_101 = arith.constant true
      %reduce_max3A_102 = vector.broadcast %reduce_max3A_101 : i1 to vector<16xi1>
      %reduce_max3A_103 = tpu.scan <max>, %get3A_100 masked %reduce_max3A_102 : vector<16xf32>, vector<16xi1> -> vector<16xf32>
      %reduce_max3A_104 = vector.extract %reduce_max3A_103[15] : f32 from vector<16xf32>
      %eq3A_105 = arith.constant 4 : i32
      %eq3A_106 = vector.broadcast %eq3A_105 : i32 to vector<16xi32>
      %eq3A_107 = arith.cmpi eq, %iota3A, %eq3A_106 : vector<16xi32>
      %broadcast_in_dim3A_108 = vector.broadcast %reduce_max3A_104 : f32 to vector<16xf32>
      %select_n3A_109 = arith.select %eq3A_107, %broadcast_in_dim3A_108, %select_n3A_98 : vector<16xi1>, vector<16xf32>
      tpu.wait_dma2 semaphore(%arg22 : memref<!tpu.dma_semaphore, #tpu.memory_space<semaphore_mem>>) src(%arg2 : memref<20000xf32, #tpu.memory_space<hbm>>) dst(%arg9 : memref<20000xf32, #tpu.memory_space<vmem>>)
      tpu.wait_dma2 semaphore(%arg22 : memref<!tpu.dma_semaphore, #tpu.memory_space<semaphore_mem>>) src(%arg3 : memref<20000xf32, #tpu.memory_space<hbm>>) dst(%arg10 : memref<20000xf32, #tpu.memory_space<vmem>>)
      tpu.wait_dma2 semaphore(%arg22 : memref<!tpu.dma_semaphore, #tpu.memory_space<semaphore_mem>>) src(%arg4 : memref<20000xf32, #tpu.memory_space<hbm>>) dst(%arg11 : memref<20000xf32, #tpu.memory_space<vmem>>)
      tpu.wait_dma2 semaphore(%arg22 : memref<!tpu.dma_semaphore, #tpu.memory_space<semaphore_mem>>) src(%arg5 : memref<20000xf32, #tpu.memory_space<hbm>>) dst(%arg12 : memref<20000xf32, #tpu.memory_space<vmem>>)
      %reduce_max3A_110 = arith.constant true
      %reduce_max3A_111 = vector.broadcast %reduce_max3A_110 : i1 to vector<16xi1>
      %reduce_max3A_112 = tpu.scan <max>, %select_n3A_109 masked %reduce_max3A_111 : vector<16xf32>, vector<16xi1> -> vector<16xf32>
      %reduce_max3A_113 = vector.extract %reduce_max3A_112[15] : f32 from vector<16xf32>
      %while3A = arith.constant 0 : i32
      %while3A_114 = arith.constant 0 : i32
      %while3A_115 = arith.constant 0 : i32
      %while3A_116:5 = scf.while (%while3A_118 = %while3A, %while3A_119 = %while3A_114, %while3A_120 = %while3A_115, %while3A_121 = %select_n3A_109, %while3A_122 = %reduce_max3A_113) : (i32, i32, i32, vector<16xf32>, f32) -> (i32, i32, i32, vector<16xf32>, f32) {
        %lt3A_123 = arith.constant 100 : i32
        %lt3A_124 = arith.cmpi slt, %while3A_118, %lt3A_123 : i32
        %lt3A_125 = arith.constant 20000 : i32
        %lt3A_126 = arith.cmpi slt, %while3A_120, %lt3A_125 : i32
        %and3A_127 = arith.andi %lt3A_124, %lt3A_126 : i1
        scf.condition(%and3A_127) %while3A_118, %while3A_119, %while3A_120, %while3A_121, %while3A_122 : i32, i32, i32, vector<16xf32>, f32
      } do {
      ^bb0(%while3A_118: i32, %while3A_119: i32, %while3A_120: i32, %while3A_121: vector<16xf32>, %while3A_122: f32):
        %broadcast_in_dim3A_123 = vector.broadcast %while3A_122 : f32 to vector<16xf32>
        %eq3A_124 = arith.cmpf oeq, %while3A_121, %broadcast_in_dim3A_123 : vector<16xf32>
        %all_reduce_ffs3A = tpu.all_reduce %eq3A_124 {dim = 0 : i64, kind = #tpu.reduction_kind<find_first_set>} : vector<16xi1> -> vector<16xi32>
        %mul3A = arith.constant 16 : i32
        %mul3A_125 = vector.broadcast %mul3A : i32 to vector<16xi32>
        %mul3A_126 = arith.muli %all_reduce_ffs3A, %mul3A_125 : vector<16xi32>
        %add3A = arith.addi %mul3A_126, %iota3A : vector<16xi32>
        %gather3A = tpu.vector_load_idx %arg14[%add3A] : memref<80xf32, #tpu.memory_space<vmem>>[vector<16xi32>], vector<16xf32>,
        %mul3A_127 = arith.constant 16 : i32
        %mul3A_128 = vector.broadcast %mul3A_127 : i32 to vector<16xi32>
        %mul3A_129 = arith.muli %all_reduce_ffs3A, %mul3A_128 : vector<16xi32>
        %eq3A_130 = arith.cmpf oeq, %gather3A, %broadcast_in_dim3A_123 : vector<16xf32>
        %all_reduce_ffs3A_131 = tpu.all_reduce %eq3A_130 {dim = 0 : i64, kind = #tpu.reduction_kind<find_first_set>} : vector<16xi1> -> vector<16xi32>
        %add3A_132 = arith.addi %mul3A_129, %all_reduce_ffs3A_131 : vector<16xi32>
        %mul3A_133 = arith.constant 16 : i32
        %mul3A_134 = vector.broadcast %mul3A_133 : i32 to vector<16xi32>
        %mul3A_135 = arith.muli %add3A_132, %mul3A_134 : vector<16xi32>
        %add3A_136 = arith.addi %mul3A_135, %iota3A : vector<16xi32>
        %gather3A_137 = tpu.vector_load_idx %arg13[%add3A_136] : memref<1280xf32, #tpu.memory_space<vmem>>[vector<16xi32>], vector<16xf32>,
        %mul3A_138 = arith.constant 16 : i32
        %mul3A_139 = vector.broadcast %mul3A_138 : i32 to vector<16xi32>
        %mul3A_140 = arith.muli %add3A_132, %mul3A_139 : vector<16xi32>
        %eq3A_141 = arith.cmpf oeq, %gather3A_137, %broadcast_in_dim3A_123 : vector<16xf32>
        %all_reduce_ffs3A_142 = tpu.all_reduce %eq3A_141 {dim = 0 : i64, kind = #tpu.reduction_kind<find_first_set>} : vector<16xi1> -> vector<16xi32>
        %add3A_143 = arith.addi %mul3A_140, %all_reduce_ffs3A_142 : vector<16xi32>
        %mul3A_144 = arith.constant 16 : i32
        %mul3A_145 = vector.broadcast %mul3A_144 : i32 to vector<16xi32>
        %mul3A_146 = arith.muli %add3A_143, %mul3A_145 : vector<16xi32>
        %add3A_147 = arith.addi %mul3A_146, %iota3A : vector<16xi32>
        %gather3A_148 = tpu.vector_load_idx %arg8[%add3A_147] : memref<20224xf32, #tpu.memory_space<vmem>>[vector<16xi32>], vector<16xf32>,
        %gt3A = arith.constant 5.000000e-02 : f32
        %gt3A_149 = vector.broadcast %gt3A : f32 to vector<16xf32>
        %gt3A_150 = arith.cmpf ogt, %gather3A_148, %gt3A_149 : vector<16xf32>
        %lt3A_151 = arith.constant -1.000000e+30 : f32
        %lt3A_152 = vector.broadcast %lt3A_151 : f32 to vector<16xf32>
        %lt3A_153 = arith.cmpf olt, %gather3A_148, %lt3A_152 : vector<16xf32>
        %jit3A = arith.constant 0xFF800000 : f32
        %jit3A_154 = arith.constant -1.000000e+09 : f32
        %broadcast_in_dim3A_155 = vector.broadcast %jit3A : f32 to vector<16xf32>
        %broadcast_in_dim3A_156 = vector.broadcast %jit3A_154 : f32 to vector<16xf32>
        %select_n3A_157 = arith.select %lt3A_153, %broadcast_in_dim3A_155, %broadcast_in_dim3A_156 : vector<16xi1>, vector<16xf32>
        %select_n3A_158 = arith.select %gt3A_150, %gather3A_148, %select_n3A_157 : vector<16xi1>, vector<16xf32>
        %mul3A_159 = arith.constant 16 : i32
        %mul3A_160 = vector.broadcast %mul3A_159 : i32 to vector<16xi32>
        %mul3A_161 = arith.muli %add3A_143, %mul3A_160 : vector<16xi32>
        %eq3A_162 = arith.cmpf oeq, %select_n3A_158, %broadcast_in_dim3A_123 : vector<16xf32>
        %all_reduce_ffs3A_163 = tpu.all_reduce %eq3A_162 {dim = 0 : i64, kind = #tpu.reduction_kind<find_first_set>} : vector<16xi1> -> vector<16xi32>
        %add3A_164 = arith.addi %mul3A_161, %all_reduce_ffs3A_163 : vector<16xi32>
        %gather3A_165 = tpu.vector_load_idx %arg9[%add3A_164] : memref<20000xf32, #tpu.memory_space<vmem>>[vector<16xi32>], vector<16xf32>,
        %gather3A_166 = tpu.vector_load_idx %arg10[%add3A_164] : memref<20000xf32, #tpu.memory_space<vmem>>[vector<16xi32>], vector<16xf32>,
        %gather3A_167 = tpu.vector_load_idx %arg11[%add3A_164] : memref<20000xf32, #tpu.memory_space<vmem>>[vector<16xi32>], vector<16xf32>,
        %gather3A_168 = tpu.vector_load_idx %arg12[%add3A_164] : memref<20000xf32, #tpu.memory_space<vmem>>[vector<16xi32>], vector<16xf32>,
        %sub3A = arith.subf %gather3A_167, %gather3A_165 : vector<16xf32>
        %max3A = arith.constant 0.000000e+00 : f32
        %max3A_169 = vector.broadcast %max3A : f32 to vector<16xf32>
        %max3A_170 = arith.maximumf %sub3A, %max3A_169 : vector<16xf32>
        %sub3A_171 = arith.subf %gather3A_168, %gather3A_166 : vector<16xf32>
        %max3A_172 = arith.constant 0.000000e+00 : f32
        %max3A_173 = vector.broadcast %max3A_172 : f32 to vector<16xf32>
        %max3A_174 = arith.maximumf %sub3A_171, %max3A_173 : vector<16xf32>
        %mul3A_175 = arith.mulf %max3A_170, %max3A_174 : vector<16xf32>
        %add3A_176 = arith.constant 15 : i32
        %add3A_177 = arith.addi %while3A_118, %add3A_176 : i32
        %jit3A_178 = arith.constant 16 : i32
        %div3A = arith.divsi %add3A_177, %jit3A_178 : i32
        %sign3A = arith.constant 0 : i32
        %sign3A_179 = arith.cmpi sgt, %add3A_177, %sign3A : i32
        %sign3A_180 = arith.extui %sign3A_179 : i1 to i32
        %sign3A_181 = arith.constant 0 : i32
        %sign3A_182 = arith.cmpi slt, %add3A_177, %sign3A_181 : i32
        %sign3A_183 = arith.extui %sign3A_182 : i1 to i32
        %sign3A_184 = arith.subi %sign3A_180, %sign3A_183 : i32
        %sign3A_185 = arith.constant 0 : i32
        %sign3A_186 = arith.cmpi sgt, %jit3A_178, %sign3A_185 : i32
        %sign3A_187 = arith.extui %sign3A_186 : i1 to i32
        %sign3A_188 = arith.constant 0 : i32
        %sign3A_189 = arith.cmpi slt, %jit3A_178, %sign3A_188 : i32
        %sign3A_190 = arith.extui %sign3A_189 : i1 to i32
        %sign3A_191 = arith.subi %sign3A_187, %sign3A_190 : i32
        %ne3A = arith.cmpi ne, %sign3A_184, %sign3A_191 : i32
        %rem3A = arith.remsi %add3A_177, %jit3A_178 : i32
        %ne3A_192 = arith.constant 0 : i32
        %ne3A_193 = arith.cmpi ne, %rem3A, %ne3A_192 : i32
        %and3A_194 = arith.andi %ne3A, %ne3A_193 : i1
        %sub3A_195 = arith.constant 1 : i32
        %sub3A_196 = arith.subi %div3A, %sub3A_195 : i32
        %select_n3A_197 = arith.select %and3A_194, %sub3A_196, %div3A : i32
        %broadcast_in_dim3A_198 = arith.constant -1.000000e+00 : f32
        %broadcast_in_dim3A_199 = vector.broadcast %broadcast_in_dim3A_198 : f32 to vector<16xf32>
        %while3A_200 = arith.constant 0 : i32
        %while3A_201 = arith.subi %select_n3A_197, %while3A_200 : i32
        %while3A_202 = arith.addi %while3A_200, %while3A_201 : i32
        %while3A_203 = arith.constant 1 : i32
        %while3A_204 = arith.divsi %while3A_201, %while3A_203 : i32
        %while3A_205 = arith.muli %while3A_204, %while3A_203 : i32
        %while3A_206 = arith.addi %while3A_200, %while3A_205 : i32
        %while3A_207 = arith.constant 1 : i32
        %while3A_208 = scf.for %while3A_316 = %while3A_200 to %while3A_206 step %while3A_207 iter_args(%while3A_317 = %broadcast_in_dim3A_199) -> (vector<16xf32>)  : i32 {
          %mul3A_318 = arith.constant 16 : i32
          %mul3A_319 = arith.muli %while3A_316, %mul3A_318 : i32
          %get3A_320 = arith.index_cast %mul3A_319 : i32 to index
          %get3A_321 = tpu.vector_load %arg15[%get3A_320] {strides = array<i32>} : memref<112xf32, #tpu.memory_space<vmem>>, vector<16xf32>,
          %max3A_322 = arith.maximumf %get3A_321, %gather3A_165 : vector<16xf32>
          %get3A_323 = arith.index_cast %mul3A_319 : i32 to index
          %get3A_324 = tpu.vector_load %arg16[%get3A_323] {strides = array<i32>} : memref<112xf32, #tpu.memory_space<vmem>>, vector<16xf32>,
          %max3A_325 = arith.maximumf %get3A_324, %gather3A_166 : vector<16xf32>
          %get3A_326 = arith.index_cast %mul3A_319 : i32 to index
          %get3A_327 = tpu.vector_load %arg17[%get3A_326] {strides = array<i32>} : memref<112xf32, #tpu.memory_space<vmem>>, vector<16xf32>,
          %min3A = arith.minimumf %get3A_327, %gather3A_167 : vector<16xf32>
          %get3A_328 = arith.index_cast %mul3A_319 : i32 to index
          %get3A_329 = tpu.vector_load %arg18[%get3A_328] {strides = array<i32>} : memref<112xf32, #tpu.memory_space<vmem>>, vector<16xf32>,
          %min3A_330 = arith.minimumf %get3A_329, %gather3A_168 : vector<16xf32>
          %sub3A_331 = arith.subf %min3A, %max3A_322 : vector<16xf32>
          %max3A_332 = arith.constant 0.000000e+00 : f32
          %max3A_333 = vector.broadcast %max3A_332 : f32 to vector<16xf32>
          %max3A_334 = arith.maximumf %sub3A_331, %max3A_333 : vector<16xf32>
          %sub3A_335 = arith.subf %min3A_330, %max3A_325 : vector<16xf32>
          %max3A_336 = arith.constant 0.000000e+00 : f32
          %max3A_337 = vector.broadcast %max3A_336 : f32 to vector<16xf32>
          %max3A_338 = arith.maximumf %sub3A_335, %max3A_337 : vector<16xf32>
          %mul3A_339 = arith.mulf %max3A_334, %max3A_338 : vector<16xf32>
          %get3A_340 = arith.index_cast %mul3A_319 : i32 to index
          %get3A_341 = tpu.vector_load %arg19[%get3A_340] {strides = array<i32>} : memref<112xf32, #tpu.memory_space<vmem>>, vector<16xf32>,
          %add3A_342 = arith.addf %get3A_341, %mul3A_175 : vector<16xf32>
          %sub3A_343 = arith.subf %add3A_342, %mul3A_339 : vector<16xf32>
          %add3A_344 = arith.constant 9.99999971E-10 : f32
          %add3A_345 = vector.broadcast %add3A_344 : f32 to vector<16xf32>
          %add3A_346 = arith.addf %sub3A_343, %add3A_345 : vector<16xf32>
          %div3A_347 = arith.divf %mul3A_339, %add3A_346 : vector<16xf32>
          %mul3A_348 = arith.constant 16 : i32
          %mul3A_349 = arith.muli %while3A_316, %mul3A_348 : i32
          %add3A_350 = vector.broadcast %mul3A_349 : i32 to vector<16xi32>
          %add3A_351 = arith.addi %iota3A, %add3A_350 : vector<16xi32>
          %lt3A_352 = vector.broadcast %while3A_118 : i32 to vector<16xi32>
          %lt3A_353 = arith.cmpi slt, %add3A_351, %lt3A_352 : vector<16xi32>
          %jit3A_354 = arith.constant -1.000000e+00 : f32
          %broadcast_in_dim3A_355 = vector.broadcast %jit3A_354 : f32 to vector<16xf32>
          %select_n3A_356 = arith.select %lt3A_353, %div3A_347, %broadcast_in_dim3A_355 : vector<16xi1>, vector<16xf32>
          %max3A_357 = arith.maximumf %while3A_317, %select_n3A_356 : vector<16xf32>
          scf.yield %max3A_357 : vector<16xf32>
        }
        %while3A_209 = arith.constant 1 : i32
        %while3A_210 = scf.for %while3A_316 = %while3A_206 to %while3A_202 step %while3A_209 iter_args(%while3A_317 = %while3A_208) -> (vector<16xf32>)  : i32 {
          %mul3A_318 = arith.constant 16 : i32
          %mul3A_319 = arith.muli %while3A_316, %mul3A_318 : i32
          %get3A_320 = arith.index_cast %mul3A_319 : i32 to index
          %get3A_321 = tpu.vector_load %arg15[%get3A_320] {strides = array<i32>} : memref<112xf32, #tpu.memory_space<vmem>>, vector<16xf32>,
          %max3A_322 = arith.maximumf %get3A_321, %gather3A_165 : vector<16xf32>
          %get3A_323 = arith.index_cast %mul3A_319 : i32 to index
          %get3A_324 = tpu.vector_load %arg16[%get3A_323] {strides = array<i32>} : memref<112xf32, #tpu.memory_space<vmem>>, vector<16xf32>,
          %max3A_325 = arith.maximumf %get3A_324, %gather3A_166 : vector<16xf32>
          %get3A_326 = arith.index_cast %mul3A_319 : i32 to index
          %get3A_327 = tpu.vector_load %arg17[%get3A_326] {strides = array<i32>} : memref<112xf32, #tpu.memory_space<vmem>>, vector<16xf32>,
          %min3A = arith.minimumf %get3A_327, %gather3A_167 : vector<16xf32>
          %get3A_328 = arith.index_cast %mul3A_319 : i32 to index
          %get3A_329 = tpu.vector_load %arg18[%get3A_328] {strides = array<i32>} : memref<112xf32, #tpu.memory_space<vmem>>, vector<16xf32>,
          %min3A_330 = arith.minimumf %get3A_329, %gather3A_168 : vector<16xf32>
          %sub3A_331 = arith.subf %min3A, %max3A_322 : vector<16xf32>
          %max3A_332 = arith.constant 0.000000e+00 : f32
          %max3A_333 = vector.broadcast %max3A_332 : f32 to vector<16xf32>
          %max3A_334 = arith.maximumf %sub3A_331, %max3A_333 : vector<16xf32>
          %sub3A_335 = arith.subf %min3A_330, %max3A_325 : vector<16xf32>
          %max3A_336 = arith.constant 0.000000e+00 : f32
          %max3A_337 = vector.broadcast %max3A_336 : f32 to vector<16xf32>
          %max3A_338 = arith.maximumf %sub3A_335, %max3A_337 : vector<16xf32>
          %mul3A_339 = arith.mulf %max3A_334, %max3A_338 : vector<16xf32>
          %get3A_340 = arith.index_cast %mul3A_319 : i32 to index
          %get3A_341 = tpu.vector_load %arg19[%get3A_340] {strides = array<i32>} : memref<112xf32, #tpu.memory_space<vmem>>, vector<16xf32>,
          %add3A_342 = arith.addf %get3A_341, %mul3A_175 : vector<16xf32>
          %sub3A_343 = arith.subf %add3A_342, %mul3A_339 : vector<16xf32>
          %add3A_344 = arith.constant 9.99999971E-10 : f32
          %add3A_345 = vector.broadcast %add3A_344 : f32 to vector<16xf32>
          %add3A_346 = arith.addf %sub3A_343, %add3A_345 : vector<16xf32>
          %div3A_347 = arith.divf %mul3A_339, %add3A_346 : vector<16xf32>
          %mul3A_348 = arith.constant 16 : i32
          %mul3A_349 = arith.muli %while3A_316, %mul3A_348 : i32
          %add3A_350 = vector.broadcast %mul3A_349 : i32 to vector<16xi32>
          %add3A_351 = arith.addi %iota3A, %add3A_350 : vector<16xi32>
          %lt3A_352 = vector.broadcast %while3A_118 : i32 to vector<16xi32>
          %lt3A_353 = arith.cmpi slt, %add3A_351, %lt3A_352 : vector<16xi32>
          %jit3A_354 = arith.constant -1.000000e+00 : f32
          %broadcast_in_dim3A_355 = vector.broadcast %jit3A_354 : f32 to vector<16xf32>
          %select_n3A_356 = arith.select %lt3A_353, %div3A_347, %broadcast_in_dim3A_355 : vector<16xi1>, vector<16xf32>
          %max3A_357 = arith.maximumf %while3A_317, %select_n3A_356 : vector<16xf32>
          scf.yield %max3A_357 : vector<16xf32>
        }
        %reduce_max3A_211 = arith.constant true
        %reduce_max3A_212 = vector.broadcast %reduce_max3A_211 : i1 to vector<16xi1>
        %reduce_max3A_213 = tpu.scan <max>, %while3A_210 masked %reduce_max3A_212 : vector<16xf32>, vector<16xi1> -> vector<16xf32>
        %reduce_max3A_214 = vector.extract %reduce_max3A_213[15] : f32 from vector<16xf32>
        %gt3A_215 = arith.constant 5.000000e-01 : f32
        %gt3A_216 = arith.cmpf ogt, %reduce_max3A_214, %gt3A_215 : f32
        %gt3A_217 = arith.constant -1.000000e+08 : f32
        %gt3A_218 = arith.cmpf ogt, %while3A_122, %gt3A_217 : f32
        %not3A = arith.constant true
        %not3A_219 = arith.xori %gt3A_216, %not3A : i1
        %and3A_220 = arith.andi %gt3A_218, %not3A_219 : i1
        %eq3A_221 = arith.constant 1 : i32
        %eq3A_222 = vector.broadcast %eq3A_221 : i32 to vector<16xi32>
        %eq3A_223 = arith.cmpi eq, %iota3A, %eq3A_222 : vector<16xi32>
        %select_n3A_224 = arith.select %eq3A_223, %gather3A_166, %gather3A_165 : vector<16xi1>, vector<16xf32>
        %eq3A_225 = arith.constant 2 : i32
        %eq3A_226 = vector.broadcast %eq3A_225 : i32 to vector<16xi32>
        %eq3A_227 = arith.cmpi eq, %iota3A, %eq3A_226 : vector<16xi32>
        %select_n3A_228 = arith.select %eq3A_227, %gather3A_167, %select_n3A_224 : vector<16xi1>, vector<16xf32>
        %eq3A_229 = arith.constant 3 : i32
        %eq3A_230 = vector.broadcast %eq3A_229 : i32 to vector<16xi32>
        %eq3A_231 = arith.cmpi eq, %iota3A, %eq3A_230 : vector<16xi32>
        %select_n3A_232 = arith.select %eq3A_231, %gather3A_168, %select_n3A_228 : vector<16xi1>, vector<16xf32>
        %eq3A_233 = arith.constant 4 : i32
        %eq3A_234 = vector.broadcast %eq3A_233 : i32 to vector<16xi32>
        %eq3A_235 = arith.cmpi eq, %iota3A, %eq3A_234 : vector<16xi32>
        %select_n3A_236 = arith.select %eq3A_235, %broadcast_in_dim3A_123, %select_n3A_232 : vector<16xi1>, vector<16xf32>
        %not3A_237 = arith.constant true
        %not3A_238 = arith.xori %and3A_220, %not3A_237 : i1
        %lt3A_239 = arith.constant 100 : i32
        %lt3A_240 = arith.cmpi slt, %while3A_119, %lt3A_239 : i32
        %and3A_241 = arith.andi %not3A_238, %lt3A_240 : i1
        %jit3A_242 = arith.constant 101 : i32
        %select_n3A_243 = arith.select %and3A_220, %while3A_118, %jit3A_242 : i32
        %broadcast_in_dim3A_244 = vector.broadcast %select_n3A_243 : i32 to vector<16xi32>
        %jit3A_245 = arith.constant 101 : i32
        %select_n3A_246 = arith.select %and3A_241, %while3A_119, %jit3A_245 : i32
        %broadcast_in_dim3A_247 = vector.broadcast %select_n3A_246 : i32 to vector<16xi32>
        tpu.vector_store_idx %arg15[%broadcast_in_dim3A_244], %gather3A_165 masked %eq3A_6 : memref<112xf32, #tpu.memory_space<vmem>>[vector<16xi32>], vector<16xf32>, vector<16xi1>
        tpu.vector_store_idx %arg16[%broadcast_in_dim3A_244], %gather3A_166 masked %eq3A_6 : memref<112xf32, #tpu.memory_space<vmem>>[vector<16xi32>], vector<16xf32>, vector<16xi1>
        tpu.vector_store_idx %arg17[%broadcast_in_dim3A_244], %gather3A_167 masked %eq3A_6 : memref<112xf32, #tpu.memory_space<vmem>>[vector<16xi32>], vector<16xf32>, vector<16xi1>
        tpu.vector_store_idx %arg18[%broadcast_in_dim3A_244], %gather3A_168 masked %eq3A_6 : memref<112xf32, #tpu.memory_space<vmem>>[vector<16xi32>], vector<16xf32>, vector<16xi1>
        tpu.vector_store_idx %arg19[%broadcast_in_dim3A_244], %mul3A_175 masked %eq3A_6 : memref<112xf32, #tpu.memory_space<vmem>>[vector<16xi32>], vector<16xf32>, vector<16xi1>
        %mul3A_248 = arith.constant 5 : i32
        %mul3A_249 = vector.broadcast %mul3A_248 : i32 to vector<16xi32>
        %mul3A_250 = arith.muli %broadcast_in_dim3A_244, %mul3A_249 : vector<16xi32>
        %add3A_251 = arith.addi %mul3A_250, %iota3A : vector<16xi32>
        tpu.vector_store_idx %arg20[%add3A_251], %select_n3A_236 masked %lt3A_8 : memref<512xf32, #tpu.memory_space<vmem>>[vector<16xi32>], vector<16xf32>, vector<16xi1>
        %mul3A_252 = arith.constant 5 : i32
        %mul3A_253 = vector.broadcast %mul3A_252 : i32 to vector<16xi32>
        %mul3A_254 = arith.muli %broadcast_in_dim3A_247, %mul3A_253 : vector<16xi32>
        %add3A_255 = arith.addi %mul3A_254, %iota3A : vector<16xi32>
        tpu.vector_store_idx %arg21[%add3A_255], %select_n3A_236 masked %lt3A_8 : memref<512xf32, #tpu.memory_space<vmem>>[vector<16xi32>], vector<16xf32>, vector<16xi1>
        tpu.vector_store_idx %arg8[%add3A_164], %broadcast_in_dim3A_9 masked %eq3A_6 : memref<20224xf32, #tpu.memory_space<vmem>>[vector<16xi32>], vector<16xf32>, vector<16xi1>
        %mul3A_256 = arith.constant 16 : i32
        %mul3A_257 = vector.broadcast %mul3A_256 : i32 to vector<16xi32>
        %mul3A_258 = arith.muli %add3A_143, %mul3A_257 : vector<16xi32>
        %sub3A_259 = arith.subi %add3A_164, %mul3A_258 : vector<16xi32>
        %eq3A_260 = arith.cmpi eq, %iota3A, %sub3A_259 : vector<16xi32>
        %jit3A_261 = arith.constant 0xFF800000 : f32
        %broadcast_in_dim3A_262 = vector.broadcast %jit3A_261 : f32 to vector<16xf32>
        %select_n3A_263 = arith.select %eq3A_260, %broadcast_in_dim3A_262, %select_n3A_158 : vector<16xi1>, vector<16xf32>
        %mul3A_264 = arith.constant 16 : i32
        %mul3A_265 = vector.broadcast %mul3A_264 : i32 to vector<16xi32>
        %mul3A_266 = arith.muli %add3A_132, %mul3A_265 : vector<16xi32>
        %sub3A_267 = arith.subi %add3A_143, %mul3A_266 : vector<16xi32>
        %eq3A_268 = arith.cmpi eq, %iota3A, %sub3A_267 : vector<16xi32>
        %jit3A_269 = arith.constant 0xFF800000 : f32
        %broadcast_in_dim3A_270 = vector.broadcast %jit3A_269 : f32 to vector<16xf32>
        %select_n3A_271 = arith.select %eq3A_268, %broadcast_in_dim3A_270, %gather3A_137 : vector<16xi1>, vector<16xf32>
        %reduce_max3A_272 = arith.constant true
        %reduce_max3A_273 = vector.broadcast %reduce_max3A_272 : i1 to vector<16xi1>
        %reduce_max3A_274 = tpu.scan <max>, %select_n3A_271 masked %reduce_max3A_273 : vector<16xf32>, vector<16xi1> -> vector<16xf32>
        %reduce_max3A_275 = vector.extract %reduce_max3A_274[15] : f32 from vector<16xf32>
        %mul3A_276 = arith.constant 16 : i32
        %mul3A_277 = vector.broadcast %mul3A_276 : i32 to vector<16xi32>
        %mul3A_278 = arith.muli %all_reduce_ffs3A, %mul3A_277 : vector<16xi32>
        %sub3A_279 = arith.subi %add3A_132, %mul3A_278 : vector<16xi32>
        %eq3A_280 = arith.cmpi eq, %iota3A, %sub3A_279 : vector<16xi32>
        %jit3A_281 = arith.constant 0xFF800000 : f32
        %broadcast_in_dim3A_282 = vector.broadcast %jit3A_281 : f32 to vector<16xf32>
        %select_n3A_283 = arith.select %eq3A_280, %broadcast_in_dim3A_282, %gather3A : vector<16xi1>, vector<16xf32>
        %reduce_max3A_284 = arith.constant true
        %reduce_max3A_285 = vector.broadcast %reduce_max3A_284 : i1 to vector<16xi1>
        %reduce_max3A_286 = tpu.scan <max>, %select_n3A_283 masked %reduce_max3A_285 : vector<16xf32>, vector<16xi1> -> vector<16xf32>
        %reduce_max3A_287 = vector.extract %reduce_max3A_286[15] : f32 from vector<16xf32>
        %eq3A_288 = arith.cmpi eq, %iota3A, %all_reduce_ffs3A : vector<16xi32>
        %jit3A_289 = arith.constant 0xFF800000 : f32
        %broadcast_in_dim3A_290 = vector.broadcast %jit3A_289 : f32 to vector<16xf32>
        %select_n3A_291 = arith.select %eq3A_288, %broadcast_in_dim3A_290, %while3A_121 : vector<16xi1>, vector<16xf32>
        %reduce_max3A_292 = arith.constant true
        %reduce_max3A_293 = vector.broadcast %reduce_max3A_292 : i1 to vector<16xi1>
        %reduce_max3A_294 = tpu.scan <max>, %select_n3A_291 masked %reduce_max3A_293 : vector<16xf32>, vector<16xi1> -> vector<16xf32>
        %reduce_max3A_295 = vector.extract %reduce_max3A_294[15] : f32 from vector<16xf32>
        %reduce_max3A_296 = arith.constant true
        %reduce_max3A_297 = vector.broadcast %reduce_max3A_296 : i1 to vector<16xi1>
        %reduce_max3A_298 = tpu.scan <max>, %select_n3A_263 masked %reduce_max3A_297 : vector<16xf32>, vector<16xi1> -> vector<16xf32>
        %reduce_max3A_299 = vector.extract %reduce_max3A_298[15] : f32 from vector<16xf32>
        %broadcast_in_dim3A_300 = vector.broadcast %reduce_max3A_299 : f32 to vector<16xf32>
        tpu.vector_store_idx %arg13[%add3A_143], %broadcast_in_dim3A_300 masked %eq3A_6 : memref<1280xf32, #tpu.memory_space<vmem>>[vector<16xi32>], vector<16xf32>, vector<16xi1>
        %max3A_301 = arith.maximumf %reduce_max3A_299, %reduce_max3A_275 : f32
        %broadcast_in_dim3A_302 = vector.broadcast %max3A_301 : f32 to vector<16xf32>
        tpu.vector_store_idx %arg14[%add3A_132], %broadcast_in_dim3A_302 masked %eq3A_6 : memref<80xf32, #tpu.memory_space<vmem>>[vector<16xi32>], vector<16xf32>, vector<16xi1>
        %max3A_303 = arith.maximumf %max3A_301, %reduce_max3A_287 : f32
        %eq3A_304 = arith.cmpi eq, %iota3A, %all_reduce_ffs3A : vector<16xi32>
        %broadcast_in_dim3A_305 = vector.broadcast %max3A_303 : f32 to vector<16xf32>
        %select_n3A_306 = arith.select %eq3A_304, %broadcast_in_dim3A_305, %while3A_121 : vector<16xi1>, vector<16xf32>
        %max3A_307 = arith.maximumf %max3A_303, %reduce_max3A_295 : f32
        %add3A_308 = arith.constant 1 : i32
        %add3A_309 = arith.addi %while3A_118, %add3A_308 : i32
        %select_n3A_310 = arith.select %and3A_220, %add3A_309, %while3A_118 : i32
        %add3A_311 = arith.constant 1 : i32
        %add3A_312 = arith.addi %while3A_119, %add3A_311 : i32
        %select_n3A_313 = arith.select %and3A_241, %add3A_312, %while3A_119 : i32
        %add3A_314 = arith.constant 1 : i32
        %add3A_315 = arith.addi %while3A_120, %add3A_314 : i32
        scf.yield %select_n3A_310, %select_n3A_313, %add3A_315, %select_n3A_306, %max3A_307 : i32, i32, i32, vector<16xf32>, f32
      }
      %while3A_117 = scf.while (%while3A_118 = %while3A_116#0) : (i32) -> i32 {
        %lt3A_119 = arith.constant 100 : i32
        %lt3A_120 = arith.cmpi slt, %while3A_118, %lt3A_119 : i32
        scf.condition(%lt3A_120) %while3A_118 : i32
      } do {
      ^bb0(%while3A_118: i32):
        %sub3A = arith.subi %while3A_118, %while3A_116#0 : i32
        %broadcast_in_dim3A_119 = vector.broadcast %sub3A : i32 to vector<16xi32>
        %mul3A = arith.constant 5 : i32
        %mul3A_120 = vector.broadcast %mul3A : i32 to vector<16xi32>
        %mul3A_121 = arith.muli %broadcast_in_dim3A_119, %mul3A_120 : vector<16xi32>
        %add3A = arith.addi %mul3A_121, %iota3A : vector<16xi32>
        %broadcast_in_dim3A_122 = vector.broadcast %while3A_118 : i32 to vector<16xi32>
        %mul3A_123 = arith.constant 5 : i32
        %mul3A_124 = vector.broadcast %mul3A_123 : i32 to vector<16xi32>
        %mul3A_125 = arith.muli %broadcast_in_dim3A_122, %mul3A_124 : vector<16xi32>
        %add3A_126 = arith.addi %mul3A_125, %iota3A : vector<16xi32>
        %gather3A = tpu.vector_load_idx %arg21[%add3A] : memref<512xf32, #tpu.memory_space<vmem>>[vector<16xi32>], vector<16xf32>,
        tpu.vector_store_idx %arg20[%add3A_126], %gather3A masked %lt3A_8 : memref<512xf32, #tpu.memory_space<vmem>>[vector<16xi32>], vector<16xf32>, vector<16xi1>
        %add3A_127 = arith.constant 1 : i32
        %add3A_128 = arith.addi %while3A_118, %add3A_127 : i32
        scf.yield %add3A_128 : i32
      }
      "tpu.region"() ({
        %run_scoped3A = tpu.sem_alloc : memref<!tpu.dma_semaphore, #tpu.memory_space<semaphore_mem>>
        tpu.enqueue_dma source(%arg20 : memref<512xf32, #tpu.memory_space<vmem>>) target(%arg7 : memref<512xf32, #tpu.memory_space<hbm>>) target_semaphore(%run_scoped3A : memref<!tpu.dma_semaphore, #tpu.memory_space<semaphore_mem>>)
        tpu.wait_dma2 semaphore(%run_scoped3A : memref<!tpu.dma_semaphore, #tpu.memory_space<semaphore_mem>>) src(%arg20 : memref<512xf32, #tpu.memory_space<vmem>>) dst(%arg7 : memref<512xf32, #tpu.memory_space<hbm>>)
        tpu.yield
      }) : () -> ()
    } else {
    }
    return
  }
}

</mosaic_0001>

<sc_bundles>
// kernel: kernel.3.cloned.1.call-start
scs
__scs_entry_jumppad:
0x0: {  	(pc) =	sbr.rel $0x88, $3  }
0x1: {  	(tag) =	ssettag $0x0;
	lr =	simm.s32 $0x1  }
0x2: {  	[smem:$0x3F9F] =	sst lr;
	_ =	strace $0xD0000000  }
0x3: {  	_ = 	snop  }
0x4: {  	_ = 	snop  }
0x5: {  	_ = 	snop  }
0x6: {  	_ = 	snop  }
0x7: {  	_ = 	snop  }
__scs_overlays_trampoline_lowered:
0x8: {  	[smem:$0x3FAE] =	sst s0  }
0x9: {  	[smem:$0x3FAF] =	sst s1  }
0xa: {  	[smem:$0x3FB0] =	sst s2  }
0xb: {  	[smem:$0x3FB1] =	sst s3  }
0xc: {  	[smem:$0x3FB2] =	sst s4  }
0xd: {  	[smem:$0x3FB3] =	sst s5  }
0xe: {  	[smem:$0x3FB4] =	sst s6  }
0xf: {  	[smem:$0x3FB5] =	sst s7  }
0x10: {  	[smem:$0x3FB6] =	sst s8  }
0x11: {  	[smem:$0x3FB7] =	sst s9;
	s0 =	simm.s32 @!p0 $0x0  }
0x12: {  	s1 =	sld [smem:$0x3F9D];
	s0 =	simm.s32 @p0 $0x1  }
0x13: {  	[smem:$0x3FB8] =	sst s0;
	s0 =	simm.s32 @!p1 $0x0  }
0x14: {  	s2 =	sld [smem:$0x3F9C];
	s0 =	simm.s32 @p1 $0x1  }
0x15: {  	[smem:$0x3FB9] =	sst s0;
	s0 =	simm.s32 @!p2 $0x0  }
0x16: {  	s3 =	sld [smem:$0x3FDB];
	s0 =	simm.s32 @p2 $0x1  }
0x17: {  	s4 =	simm.s32 $0x1BF5;
	[smem:$0x3FBB] =	sst s0  }
0x18: {  	s0 =	sld [smem:$0x3F9E];
	_ =	swait.ge [sflag:s4], $0x0  }
0x19: {  	s7 =	sld [smem:$0x3F9F]  }
0x1a: {  	s8 =	sadd.s32 $0xFFFFE003, lr  }
0x1b: {  	s9 =	sadd.s32 $0xFFFFFEF7, lr;
	s5 =	simm.s32 $0xFFFFFFFF;
	p2 =	slt.u32 s8, $0xFFFFF086  }
0x1c: {  	p1 =	slt.u32 s9, $0xF7A;
	s5 =	simm.s32 @!p2 $0x0  }
0x1d: {  	s5 =	simm.s32 @p1 $0x1;
	p0 =	seq.s32 s7, s2  }
0x1e: {  	s7 =	smul.u32 @!p0 $0xF7A, s2;
	p2 =	seq.s32 @!p0 s5, $0x0  }
0x1f: {  	s9 =	smul.u32 $0xF7A, s1;
	s8 =	simm.s32 @!p0 $0x1BF5;
	p2 =	por !p2, p0  }
0x20: {  	[sflag:s8] =	ssyncset.s32 @!p0 $0xFFFFF086;
	s6 =	sadd.s32 @!p0 s3, s7;
	s7 =	simm.s32 @!p0 $0x108  }
0x21: {  	s3 =	sadd.s32 s3, s9;
	s6 =	sadd.s32 @!p0 $0x88, s6;
	s7 =	simm.s32 @p2 $0x1082  }
0x22: {  	[simem:s7], [sflag:s8] =	dma.local @!p0 [hbm:s6], $0xF7A  }
0x23: {  	s9 =	sor.u32 $0xD0000000, s2;
	s6 =	simm.s32 $0x108;
	_ =	swait.ge @!p0 [sflag:s8], $0x0  }
0x24: {  	s3 =	sadd.s32 $0x88, s3;
	s6 =	simm.s32 @!p1 $0x1082;
	[sflag:s4] =	ssyncset.s32 $0xFFFFF086  }
0x25: {  	[simem:s6], [sflag:s4] =	dma.local [hbm:s3], $0xF7A  }
0x26: {  	[smem:$0x3F9F] =	sst s1;
	(tag) =	ssettag s2;
	_ =	strace s9  }
0x27: {  	s1 =	sld [smem:$0x3FAF]  }
0x28: {  	s2 =	sld [smem:$0x3FB0]  }
0x29: {  	s4 =	sld [smem:$0x3FB2]  }
0x2a: {  	p0 =	seq.s32 s5, $0x0;
	s5 =	sld [smem:$0x3FB3]  }
0x2b: {  	s6 =	sld [smem:$0x3FB4]  }
0x2c: {  	s7 =	sld [smem:$0x3FB5]  }
0x2d: {  	s3 =	simm.s32 $0x108;
	s8 =	sld [smem:$0x3FB6]  }
0x2e: {  	s3 =	simm.s32 @!p0 $0x1082;
	s9 =	sld [smem:$0x3FB7]  }
0x2f: {  	lr =	sadd.s32 s0, s3;
	s0 =	sld [smem:$0x3FAE]  }
0x30: {  	s3 =	sld [smem:$0x3FB1]  }
0x31: {  	[smem:$0x3FBA] =	sst s10  }
0x32: {  	s10 =	sld [smem:$0x3FB8];
	_ =	sdelay $0x3  }
0x33: {  	p0 =	seq.s32 s10, $0x1;
	s10 =	sld [smem:$0x3FBA];
	_ =	sdelay $0x3  }
0x34: {  	[smem:$0x3FBA] =	sst s10  }
0x35: {  	s10 =	sld [smem:$0x3FB9];
	_ =	sdelay $0x3  }
0x36: {  	p1 =	seq.s32 s10, $0x1;
	s10 =	sld [smem:$0x3FBA];
	_ =	sdelay $0x3  }
0x37: {  	[smem:$0x3FBA] =	sst s10  }
0x38: {  	s10 =	sld [smem:$0x3FBB]  }
0x39: {  	_ = 	snop;
	(pc) =	sbr.ind lr, $3  }
0x3a: {  	_ = 	snop  }
0x3b: {  	_ = 	snop  }
0x3c: {  	p2 =	seq.s32 s10, $0x1;
	s10 =	sld [smem:$0x3FBA]  }
0x3d: {  	_ =	shalt  }
0x3e: {  	_ =	shalt  }
0x3f: {  	_ =	shalt  }
0x40: {  	_ =	shalt  }
0x41: {  	_ =	shalt  }
0x42: {  	_ =	shalt  }
0x43: {  	_ =	shalt  }
0x44: {  	_ =	shalt  }
0x45: {  	_ =	shalt  }
0x46: {  	_ =	shalt  }
0x47: {  	_ =	shalt  }
0x48: {  	_ =	shalt  }
0x49: {  	_ =	shalt  }
0x4a: {  	_ =	shalt  }
0x4b: {  	_ =	shalt  }
0x4c: {  	_ =	shalt  }
0x4d: {  	_ =	shalt  }
0x4e: {  	_ =	shalt  }
0x4f: {  	_ =	shalt  }
0x50: {  	_ =	shalt  }
0x51: {  	_ =	shalt  }
0x52: {  	_ =	shalt  }
0x53: {  	_ =	shalt  }
0x54: {  	_ =	shalt  }
0x55: {  	_ =	shalt  }
0x56: {  	_ =	shalt  }
0x57: {  	_ =	shalt  }
0x58: {  	_ =	shalt  }
0x59: {  	_ =	shalt  }
0x5a: {  	_ =	shalt  }
0x5b: {  	_ =	shalt  }
0x5c: {  	_ =	shalt  }
0x5d: {  	_ =	shalt  }
0x5e: {  	_ =	shalt  }
0x5f: {  	_ =	shalt  }
0x60: {  	_ =	shalt  }
0x61: {  	_ =	shalt  }
0x62: {  	_ =	shalt  }
0x63: {  	_ =	shalt  }
0x64: {  	_ =	shalt  }
0x65: {  	_ =	shalt  }
0x66: {  	_ =	shalt  }
0x67: {  	_ =	shalt  }
0x68: {  	_ =	shalt  }
0x69: {  	_ =	shalt  }
0x6a: {  	_ =	shalt  }
0x6b: {  	_ =	shalt  }
0x6c: {  	_ =	shalt  }
0x6d: {  	_ =	shalt  }
0x6e: {  	_ =	shalt  }
0x6f: {  	_ =	shalt  }
0x70: {  	_ =	shalt  }
0x71: {  	_ =	shalt  }
0x72: {  	_ =	shalt  }
0x73: {  	_ =	shalt  }
0x74: {  	_ =	shalt  }
0x75: {  	_ =	shalt  }
0x76: {  	_ =	shalt  }
0x77: {  	_ =	shalt  }
0x78: {  	_ =	shalt  }
0x79: {  	_ =	shalt  }
0x7a: {  	_ =	shalt  }
0x7b: {  	_ =	shalt  }
0x7c: {  	_ =	shalt  }
0x7d: {  	_ =	shalt  }
0x7e: {  	_ =	shalt  }
0x7f: {  	_ =	shalt  }
0x80: {  	_ =	shalt  }
0x81: {  	_ =	shalt  }
0x82: {  	_ =	shalt  }
0x83: {  	_ =	shalt  }
0x84: {  	_ =	shalt  }
0x85: {  	_ =	shalt  }
0x86: {  	_ =	shalt  }
0x87: {  	_ =	shalt  }
.Lfunc_end0:
.L_simem_size_0:
called_computation_lowered:
.L_overlay_start_0:
0x88: {  	s2 =	sld [smem:$0x3FD9]  }
0x89: {  	s3 =	sld [smem:$0x3FFE];
	_ =	sdelay $0x1  }
0x8a: {  	s1 =	srdreg.scid  }
0x8b: {  	s0 =	sand.u32 $0x1, s1  }
0x8c: {  	s17 =	sshll.u32 s0, $0xA;
	s2 =	sadd.s32 s3, s2  }
0x8d: {  	s2 =	sadd.s32 s2, s17  }
0x8e: {  	[smem:$0x3FC6] =	sst s2  }
0x8f: {  	_ = 	snop  }
0x90: {  	s2 =	sld [smem:$0x3FC8]  }
0x91: {  	s18 =	sld [smem:$0x3FD0];
	(tm) =	ssettm $0x1  }
0x92: {  	s4 =	sld [smem:$0x3FFB];
	_ =	sdelay $0x3  }
0x93: {  	_ =	strace s4  }
0x94: {  	s4 =	sld [smem:$0x3FFC];
	_ =	sdelay $0x3  }
0x95: {  	_ =	strace s4  }
0x96: {  	s4 =	sld [smem:$0x3FFD];
	_ =	sdelay $0x3  }
0x97: {  	_ =	strace s4  }
0x98: {  	_ =	strace $0x8FFFFFFF  }
0x99: {  	s19 =	sld [smem:$0x3FDB];
	_ =	sdelay $0x1  }
0x9a: {  	s5 =	simm.s32 $_scs_section_size  }
0x9b: {  	s6 =	simm.s32 $_size__tile_overlayer_lowered;
	s7 =	simm.s32 $_tile_overlayer_lowered  }
0x9c: {  	s22 =	simm.s32 $0x1BFF;
	s21 =	sshll.u32 s7, $0x1;
	s4 =	sadd.s32 s5, s19  }
0x9d: {  	s8 =	simm.s32 $0x0;
	s20 =	sshll.u32 s6, $0x1;
	s6 =	sadd.s32 s21, s4  }
0x9e: {  	[timem:s8], [sflag:s22] =	dma.local [hbm:s6], s20  }
0x9f: {  	_ =	swait.ge [sflag:s22], s20  }
0xa0: {  	s5 =	ssub.s32 $0x0, s20;
	[sflag:s22] =	ssyncset.done $0x0  }
0xa1: {  	[sflag:s22] =	ssyncadd.s32 s5;
	_ =	sdelay $0x1  }
0xa2: {  	s23 =	simm.s32 $0x1B8B  }
0xa3: {  	_ =	swait.ge [sflag:s23], $0x1  }
0xa4: {  	[sflag:s23] =	ssyncset.done $0x0  }
0xa5: {  	s25 =	simm.s32 $0x1B8E;
	s24 =	sld [smem:$0x3FFE];
	[sflag:s23] =	ssyncadd.s32 $0xFFFFFFFF  }
0xa6: {  	s26 =	simm.s32 $execute0_lowered;
	[smem:$0x3FD2] =	sst s25  }
0xa7: {  	s6 =	sshll.u32 s26, $0x1;
	_ =	strace $0x80000046;
	[dreg:$0x1] =	wrdreg $0xFFFFFFFF  }
0xa8: {  	s28 =	simm.s32 $_size_execute0_lowered;
	s4 =	sadd.s32 s4, s6;
	[dreg:$0x0] =	wrdreg $0x0  }
0xa9: {  	s6 =	sshll.u32 s28, $0x1;
	[dreg:$0x2] =	wrdreg s4  }
0xaa: {  	[dreg:$0x3] =	wrdreg s6  }
0xab: {  	[dreg:$0x4] =	wrdreg $0xC0  }
0xac: {  	_ =	task [dreg:s8], $0x5FFFF  }
0xad: {  	[dreg:$0x1] =	wrdreg $0xFFFFFFFF  }
0xae: {  	[dreg:$0x0] =	wrdreg $0x60  }
0xaf: {  	[dreg:$0x2] =	wrdreg s24  }
0xb0: {  	[dreg:$0x3] =	wrdreg s2  }
0xb1: {  	[dreg:$0x4] =	wrdreg s18  }
0xb2: {  	[dreg:$0x5] =	wrdreg $0x9  }
0xb3: {  	_ =	task.clear_ibuf [dreg:s8], $0x6FFFF;
	_ =	strace $0x90000046  }
0xb4: {  	s29 =	simm.s32 $0x9;
	_ =	strace $0x80000048  }
0xb5: {  	_ =	swait.ge [sflag:s29], $0x1  }
0xb6: {  	[sflag:s29] =	ssyncadd.s32 $0xFFFFFFFF  }
0xb7: {  	_ =	strace $0x90000048  }
0xb8: {  	_ =	sfence  }
0xb9: {  	s30 =	sld [smem:$0x0];
	_ =	sdelay $0x2  }
0xba: {  	s31 =	sshll.u32 s1, $0xD;
	s1 =	sshrl.u32 s1, $0x2  }
0xbb: {  	s3 =	sand.u32 $0x4000, s31;
	s1 =	sadd.s32 s1, s30  }
0xbc: {  	s0 =	sor.u32 s3, s0;
	s1 =	sshll.u32 s1, $0x11  }
0xbd: {  	s0 =	sor.u32 s1, s0  }
0xbe: {  	s0 =	sadd.s32 $0x8F2B, s0  }
0xbf: {  	[sflag:s0] =	ssyncadd.remote.s32 $0x1  }
0xc0: {  	_ =	sfence.sel $0xFFFF  }
0xc1: {  	[dreg:$0x0] =	wrdreg $0xFFFFFFFF;
	(pc) =	sbr.abs _section_cstart, $3  }
0xc2: {  	[dreg:$0x1] =	wrdreg $0xFFFFFFFF  }
0xc3: {  	_ =	task.clear_ibuf [dreg:s8], $0x2FFFF;
	_ =	strace $0x9FFFFFFF  }
0xc4: {  	(tm) =	ssettm $0x7FFFFFFF  }
0xc5: {  	_ =	shalt  }
tec
execute0_lowered:
.L_overlay_start_1:
0x0: {  	(tag) =	ssettag $0x1  }
0x1: {  	s0 =	srdreg.scid  }
0x2: {  	s31 =	stileid.u32;
	s2 =	sand.u32 $0x1, s0  }
0x3: {  	s0 =	sor.u32 s31, s2  }
0x4: {  	p0 =	sne.s32 s0, $0x0  }
.Ltmp0:
0x5: {  	_ = 	snop;
	(pc) =	sbr.rel @!p0 .LBB2_1-.Ltmp0, $2  }
0x6: {  	_ =	sdelay $0x2  }
0x7: {  	_ =	strace $0x80000047  }
.LBB2_18:
0x8: {  	_ =	sfence.sel $0x180000  }
0x9: {  	[bflag:$0x0] =	sbarrier.arrive $0xFFFF  }
0xa: {  	_ =	strace $0x90000047  }
0xb: {  	s0 =	stileid.u32;
	[bflag:$0x2] =	sbarrier.arrive $0xFFFF  }
0xc: {  	p0 =	sne.s32 s0, $0x0;
	s0 =	rddreg [dreg:$0x3]  }
0xd: {  	s0 =	sadd.s32 @!p0 $0x100000, s0  }
0xe: {  	[sflag:s0] =	ssyncadd.tile.s32 @!p0 $0x1;
	_ =	shalt  }
.LBB2_1:
0xf: {  	v0 =	vimm.s32 $0xBCAB9A89;
	v1 =	vimm.s32 $0xF0EFDECD  }
0x10: {  	vm0 =	vcmask $0x1F10;
	v2 =	vimm.s32 $0x78675645;
	v3 =	vimm.s32 $0xBDAC9B8A  }
0x11: {  	v4 =	vimm.s32 $0xF1E0DFCE;
	v5 =	vimm.s32 $0x35241302;
	v6 =	vimm.s32 $0x79685746  }
0x12: {  	v7 =	vimm.s32 $0x37261504;
	v8 =	vimm.s32 $0x7B6A5948;
	v9 =	vimm.s32 $0xB0AF9E8D  }
0x13: {  	v10 =	vimm.s32 $0xF4E3D2C1;
	v12 =	vimm.s32 $0x7F6E5D4C;
	v13 =	vimm.s32 $0xB4A39281  }
0x14: {  	v14 =	vimm.s32 $0xF8E7D6C5;
	v16 =	vimm.s32 $0xB8A79685;
	v17 =	vimm.s32 $0xFCEBDAC9  }
0x15: {  	v18 =	vimm.s32 $0x302F1E0D;
	v19 =	vimm.s32 $0x74635241;
	vm1 =	vcmask $0x314  }
0x16: {  	vm2 =	vcmask $0x714;
	v0 =	vunpack.c.0.s8.s32 v0;
	v1 =	vunpack.c.0.s8.s32 v1  }
0x17: {  	vm3 =	vcmask $0xB14;
	vm4 =	vcmask $0xF14;
	v2 =	vunpack.c.0.s8.s32 v2  }
0x18: {  	v3 =	vunpack.c.0.s8.s32 v3;
	v0 =	vsel vm0, v1, v0;
	v1 =	vimm.s32 $0x34231201  }
0x19: {  	v4 =	vunpack.c.0.s8.s32 v4;
	v7 =	vunpack.c.0.s8.s32 v7;
	v1 =	vunpack.c.0.s8.s32 v1  }
0x1a: {  	v8 =	vunpack.c.0.s8.s32 v8;
	v12 =	vunpack.c.0.s8.s32 v12;
	v16 =	vunpack.c.0.s8.s32 v16  }
0x1b: {  	v1 =	vsel vm0, v2, v1;
	v2 =	vunpack.c.0.s8.s32 v5;
	v5 =	vunpack.c.0.s8.s32 v6  }
0x1c: {  	v4 =	vsel vm0, v4, v3;
	v3 =	vimm.s32 $0xBEAD9C8B;
	v6 =	vimm.s32 $0xF2E1D0CF  }
0x1d: {  	v6 =	vunpack.c.0.s8.s32 v6;
	v2 =	vsel vm0, v5, v2;
	v5 =	vunpack.c.0.s8.s32 v3  }
0x1e: {  	v3 =	vcombine.low v1, v0;
	v1 =	vimm.s32 $0x36251403;
	v4 =	vcombine.low v2, v4  }
0x1f: {  	v2 =	vimm.s32 $0x7A695847;
	v1 =	vunpack.c.0.s8.s32 v1;
	v0 =	vsel vm0, v6, v5  }
0x20: {  	v2 =	vunpack.c.0.s8.s32 v2;
	v5 =	vimm.s32 $0xBFAE9D8C;
	v6 =	vimm.s32 $0xF3E2D1C0  }
0x21: {  	v17 =	vunpack.c.0.s8.s32 v17;
	v5 =	vunpack.c.0.s8.s32 v5;
	v6 =	vunpack.c.0.s8.s32 v6  }
0x22: {  	v18 =	vunpack.c.0.s8.s32 v18;
	v1 =	vsel vm0, v2, v1;
	v2 =	vunpack.c.0.s8.s32 v9  }
0x23: {  	v9 =	vunpack.c.0.s8.s32 v10;
	v10 =	vcombine.low v1, v0;
	v0 =	vsel vm0, v6, v5  }
0x24: {  	v1 =	vsel vm0, v8, v7;
	v5 =	vimm.s32 $0xB1A09F8E;
	v7 =	vimm.s32 $0xF5E4D3C2  }
0x25: {  	v6 =	vcombine.low v1, v0;
	v0 =	vsel vm0, v9, v2;
	v1 =	vimm.s32 $0x38271605  }
0x26: {  	v2 =	vimm.s32 $0x7C6B5A49;
	v5 =	vunpack.c.0.s8.s32 v5;
	v7 =	vunpack.c.0.s8.s32 v7  }
0x27: {  	v8 =	vimm.s32 $0x39281706;
	v1 =	vunpack.c.0.s8.s32 v1;
	v2 =	vunpack.c.0.s8.s32 v2  }
0x28: {  	v9 =	vimm.s32 $0x7D6C5B4A;
	v5 =	vsel vm0, v7, v5;
	v7 =	vimm.s32 $0xB2A1908F  }
0x29: {  	v1 =	vsel vm0, v2, v1;
	v2 =	vunpack.c.0.s8.s32 v8;
	v8 =	vunpack.c.0.s8.s32 v9  }
0x2a: {  	v19 =	vunpack.c.0.s8.s32 v19;
	v9 =	vimm.s32 $0xF6E5D4C3;
	v7 =	vunpack.c.0.s8.s32 v7  }
0x2b: {  	v2 =	vsel vm0, v8, v2;
	v8 =	vunpack.c.0.s8.s32 v9;
	v9 =	vcombine.low v1, v0  }
0x2c: {  	v1 =	vimm.s32 $0x3A291807;
	v11 =	vcombine.low v2, v5;
	v2 =	vimm.s32 $0x7E6D5C4B  }
0x2d: {  	v1 =	vunpack.c.0.s8.s32 v1;
	v5 =	vimm.s32 $0xB3A29180;
	v0 =	vsel vm0, v8, v7  }
0x2e: {  	v2 =	vunpack.c.0.s8.s32 v2;
	v7 =	vimm.s32 $0xF7E6D5C4;
	v8 =	vimm.s32 $0x3B2A1908  }
0x2f: {  	v5 =	vunpack.c.0.s8.s32 v5;
	v7 =	vunpack.c.0.s8.s32 v7;
	v8 =	vunpack.c.0.s8.s32 v8  }
0x30: {  	v1 =	vsel vm0, v2, v1;
	v2 =	vunpack.c.0.s8.s32 v13;
	v13 =	vunpack.c.0.s8.s32 v14  }
0x31: {  	v14 =	vcombine.low v1, v0;
	v0 =	vsel vm0, v7, v5;
	v1 =	vsel vm0, v12, v8  }
0x32: {  	v5 =	vimm.s32 $0xB5A49382;
	v7 =	vimm.s32 $0xF9E8D7C6;
	v12 =	vcombine.low v1, v0  }
0x33: {  	v0 =	vsel vm0, v13, v2;
	v1 =	vimm.s32 $0x3C2B1A09;
	v2 =	vimm.s32 $0x706F5E4D  }
0x34: {  	v8 =	vimm.s32 $0x3D2C1B0A;
	v1 =	vunpack.c.0.s8.s32 v1;
	v2 =	vunpack.c.0.s8.s32 v2  }
0x35: {  	v5 =	vunpack.c.0.s8.s32 v5;
	v7 =	vunpack.c.0.s8.s32 v7;
	v13 =	vimm.s32 $0x71605F4E  }
0x36: {  	v1 =	vsel vm0, v2, v1;
	v2 =	vunpack.c.0.s8.s32 v8;
	v8 =	vunpack.c.0.s8.s32 v13  }
0x37: {  	v13 =	vcombine.low v1, v0;
	v0 =	vsel vm0, v7, v5;
	v1 =	vimm.s32 $0xB6A59483  }
0x38: {  	v5 =	vimm.s32 $0xFAE9D8C7;
	v7 =	vimm.s32 $0x3E2D1C0B;
	v2 =	vsel vm0, v8, v2  }
0x39: {  	v1 =	vunpack.c.0.s8.s32 v1;
	v5 =	vunpack.c.0.s8.s32 v5;
	v8 =	vimm.s32 $0x7261504F  }
0x3a: {  	v15 =	vcombine.low v2, v0;
	v0 =	vunpack.c.0.s8.s32 v7;
	v2 =	vunpack.c.0.s8.s32 v8  }
0x3b: {  	v3 =	vand.u32 $0xFF, v3;
	v7 =	vimm.s32 $0xFBEAD9C8;
	v8 =	vimm.s32 $0x73625140  }
0x3c: {  	v1 =	vsel vm0, v5, v1;
	v5 =	vimm.s32 $0xB7A69584;
	v0 =	vsel vm0, v2, v0  }
0x3d: {  	v2 =	vunpack.c.0.s8.s32 v5;
	v5 =	vunpack.c.0.s8.s32 v7;
	v7 =	vimm.s32 $0x3F2E1D0C  }
0x3e: {  	v4 =	vand.u32 $0xFF, v4;
	v8 =	vunpack.c.0.s8.s32 v8;
	v7 =	vunpack.c.0.s8.s32 v7  }
0x3f: {  	v6 =	vand.u32 $0xFF, v6;
	v20 =	vcombine.low v0, v1;
	v0 =	vsel vm0, v5, v2  }
0x40: {  	v2 =	vimm.s32 $0x31201F0E;
	v5 =	vimm.s32 $0x75645342;
	v1 =	vsel vm0, v8, v7  }
0x41: {  	v2 =	vunpack.c.0.s8.s32 v2;
	v7 =	vimm.s32 $0xBAA99887;
	v5 =	vunpack.c.0.s8.s32 v5  }
0x42: {  	v8 =	vimm.s32 $0xFEEDDCCB;
	v21 =	vcombine.low v1, v0;
	v0 =	vsel vm0, v17, v16  }
0x43: {  	v1 =	vsel vm0, v19, v18;
	v7 =	vunpack.c.0.s8.s32 v7;
	v8 =	vunpack.c.0.s8.s32 v8  }
0x44: {  	v17 =	vimm.s32 $0x3221100F;
	v18 =	vimm.s32 $0x76655443;
	v16 =	vcombine.low v1, v0  }
0x45: {  	s0 =	ssub.s32 $0x2, s2;
	s30 =	rddreg [dreg:$0x0];
	v0 =	vimm.s32 $0xB9A89786;
	v1 =	vimm.s32 $0xFDECDBCA;
	v17 =	vunpack.c.0.s8.s32 v17  }
0x46: {  	s9 =	simm.s32 $0x0;
	s10 =	simm.s32 $0x4F00;
	s11 =	simm.s32 $0x9D80;
	v18 =	vunpack.c.0.s8.s32 v18;
	v22 =	vsel vm0, v5, v2;
	v5 =	vand.u32 $0xFF, v10  }
0x47: {  	s12 =	simm.s32 $0xEC00;
	s13 =	simm.s32 $0x13A80;
	s14 =	simm.s32 $0x2;
	v10 =	vand.u32 $0xFF, v12;
	v12 =	vand.u32 $0xFF, v15;
	v0 =	vunpack.c.0.s8.s32 v0  }
0x48: {  	s15 =	simm.s32 $0x18900;
	s16 =	simm.s32 $0x1;
	s17 =	simm.s32 $0x18E00;
	v1 =	vunpack.c.0.s8.s32 v1;
	v23 =	vsel vm0, v8, v7;
	v7 =	vand.u32 $0xFF, v9  }
0x49: {  	s18 =	simm.s32 $0x0;
	s19 =	simm.s32 $0x18E80;
	s20 =	simm.s32 $0x18F00;
	v8 =	vand.u32 $0xFF, v11;
	v9 =	vand.u32 $0xFF, v14;
	v11 =	vand.u32 $0xFF, v13  }
.Ltmp1:
0x4a: {  	s21 =	simm.s32 $0x18F80;
	s22 =	simm.s32 $0x19000;
	v13 =	vand.u32 $0xFF, v20;
	v14 =	vand.u32 $0xFF, v21;
	v17 =	vsel vm0, v18, v17;
	(pc) =	sbr.rel .LBB2_2-.Ltmp1, $4  }
0x4b: {  	s23 =	simm.s32 $0x19080;
	s24 =	simm.s32 $0x19100;
	s1 =	sadd.s32 $0x1E00, s30;
	v15 =	vand.u32 $0xFF, v16;
	v19 =	vsel vm0, v1, v0;
	v0 =	vlaneseq.u32  }
0x4c: {  	s25 =	simm.s32 $0x19300;
	s3 =	sadd.s32 $0x1400, s30;
	[dreg:$0x4] =	wrdreg s1;
	v1 =	vimm.f32 $-Inf;
	v17 =	vcombine.low v17, v23;
	v18 =	vcombine.low v22, v19  }
0x4d: {  	s31 =	sshrl.u32 s0, $0x1;
	s2 =	sadd.s32 $0xA00, s30;
	[dreg:$0x5] =	wrdreg s3;
	vm0 =	vmmov $0x1;
	v2 =	vmul.u32 $0x11, v0;
	v19 =	vmul.u32 $0xFFFFFFFF, v0  }
0x4e: {  	s26 =	simm.s32 $0x3;
	[dreg:$0x6] =	wrdreg s2;
	s8 =	ssub.s32 s0, s31;
	v17 =	vand.u32 $0xFF, v17;
	v16 =	vand.u32 $0xFF, v18;
	v18 =	vimm.f32 $-1.000000000e+09  }
.LBB2_17:
0x4f: {  	s9 =	sadd.s32 $0x1, s9  }
0x50: {  	p0 =	sne.s32 s9, s8  }
.Ltmp2:
0x51: {  	s0 =	rddreg [dreg:$0x2];
	(pc) =	sbr.rel @!p0 .LBB2_18-.Ltmp2, $4  }
0x52: {  	[hbm4b:s0+s18] =	stream.linear.scatter [tilespmem:s24], [sflag:$0x3], $0x200, $0x38;
	[tilespmem:$0x19500] =	vst v63  }
0x53: {  	_ =	swait.ge [sflag:s26], $0x200  }
0x54: {  	[sflag:s26] =	ssyncset.done $0x0  }
0x55: {  	[sflag:s26] =	ssyncadd.s32 $0xFFFFFE00  }
.LBB2_2:
0x56: {  	s0 =	rddreg [dreg:$0x1]  }
0x57: {  	[tilespmem:s18], [sflag:$0x2] =	stream.linear.gather [hbm4b:s0+s18], $0x4E20, $0x38;
	[tilespmem:$0x19500] =	vst v63  }
0x58: {  	s6 =	rddreg [dreg:$0x4]  }
0x59: {  	[tilespmem:s10], [sflag:$0x1] =	stream.linear.gather [hbm4b:s6+s18], $0x4E80, $0x38;
	[tilespmem:$0x19500] =	vst v63  }
0x5a: {  	s7 =	rddreg [dreg:$0x5]  }
0x5b: {  	[tilespmem:s11], [sflag:$0x1] =	stream.linear.gather [hbm4b:s7+s18], $0x4E80, $0x38;
	[tilespmem:$0x19500] =	vst v63  }
0x5c: {  	s28 =	rddreg [dreg:$0x6]  }
0x5d: {  	[tilespmem:s12], [sflag:$0x1] =	stream.linear.gather [hbm4b:s28+s18], $0x4E80, $0x38;
	[tilespmem:$0x19500] =	vst v63  }
0x5e: {  	s30 =	rddreg [dreg:$0x0]  }
0x5f: {  	[tilespmem:s13], [sflag:$0x1] =	stream.linear.gather [hbm4b:s30+s18], $0x4E80, $0x38;
	[tilespmem:$0x19500] =	vst v63  }
0x60: {  	_ =	swait.ge [sflag:s14], $0x4E20  }
0x61: {  	[sflag:s14] =	ssyncset.done $0x0  }
0x62: {  	[sflag:s14] =	ssyncadd.s32 $0xFFFFB1E0  }
0x63: {  	[tilespmem:$0x4E20] =	vst v1  }
0x64: {  	[tilespmem:$0x4E30] =	vst v1  }
0x65: {  	[tilespmem:$0x4E40] =	vst v1  }
0x66: {  	[tilespmem:$0x4E50] =	vst v1  }
0x67: {  	[tilespmem:$0x4E60] =	vst v1  }
0x68: {  	[tilespmem:$0x4E70] =	vst v1  }
0x69: {  	[tilespmem:$0x4E80] =	vst v1  }
0x6a: {  	[tilespmem:$0x4E90] =	vst v1  }
0x6b: {  	[tilespmem:$0x4EA0] =	vst v1  }
0x6c: {  	[tilespmem:$0x4EB0] =	vst v1  }
0x6d: {  	v20 =	vor.u32 s18, v3;
	[tilespmem:$0x4EC0] =	vst v1  }
0x6e: {  	v21 =	vor.u32 s18, v2;
	[tilespmem:$0x4ED0] =	vst v1  }
0x6f: {  	v22 =	vor.u32 s18, v4;
	[tilespmem:$0x4EE0] =	vst v1  }
0x70: {  	v23 =	vor.u32 s18, v5;
	[tilespmem:$0x4EF0] =	vst v1  }
0x71: {  	v24 =	vor.u32 s18, v6;
	[tilespmem:$0x18DF0] =	vst v1  }
0x72: {  	v25 =	vor.u32 s18, v7;
	v20 =	vld.idx.msk [tilespmem:v20+s18+$0x0], $0xffff  }
0x73: {  	v26 =	vor.u32 s18, v8;
	v21 =	vld.idx.msk [tilespmem:v21+s18+$0x0], $0xffff  }
0x74: {  	v27 =	vor.u32 s18, v9;
	v22 =	vld.idx.msk [tilespmem:v22+s18+$0x0], $0xffff  }
0x75: {  	v28 =	vor.u32 s18, v10;
	v23 =	vld.idx.msk [tilespmem:v23+s18+$0x0], $0xffff  }
0x76: {  	v29 =	vor.u32 s18, v11;
	v24 =	vld.idx.msk [tilespmem:v24+s18+$0x0], $0xffff  }
0x77: {  	v30 =	vor.u32 s18, v12;
	v25 =	vld.idx.msk [tilespmem:v25+s18+$0x0], $0xffff  }
0x78: {  	v31 =	vor.u32 s18, v13;
	v26 =	vld.idx.msk [tilespmem:v26+s18+$0x0], $0xffff;
	v20 =	vmax.f32 v21, v20  }
0x79: {  	v40 =	vor.u32 s18, v14;
	v21 =	vld.idx.msk [tilespmem:v27+s18+$0x0], $0xffff;
	v20 =	vmax.f32 v20, v22  }
0x7a: {  	v41 =	vor.u32 s18, v15;
	v22 =	vld.idx.msk [tilespmem:v28+s18+$0x0], $0xffff;
	v20 =	vmax.f32 v20, v23  }
0x7b: {  	v42 =	vor.u32 s18, v16;
	v23 =	vld.idx.msk [tilespmem:v29+s18+$0x0], $0xffff;
	v20 =	vmax.f32 v20, v24  }
0x7c: {  	v44 =	vor.u32 s18, v17;
	v43 =	vld.idx.msk [tilespmem:v30+s18+$0x0], $0xffff;
	v20 =	vmax.f32 v20, v25  }
0x7d: {  	v45 =	vld.idx.msk [tilespmem:v31+s18+$0x0], $0xffff;
	v20 =	vmax.f32 v20, v26  }
0x7e: {  	v46 =	vld.idx.msk [tilespmem:v40+s18+$0x0], $0xffff;
	v20 =	vmax.f32 v20, v21  }
0x7f: {  	v21 =	vld.idx.msk [tilespmem:v41+s18+$0x0], $0xffff;
	v20 =	vmax.f32 v20, v22  }
0x80: {  	v22 =	vld.idx.msk [tilespmem:v42+s18+$0x0], $0xffff;
	v20 =	vmax.f32 v20, v23  }
0x81: {  	v23 =	vld.idx.msk [tilespmem:v44+s18+$0x0], $0xffff;
	v20 =	vmax.f32 v20, v43  }
0x82: {  	v20 =	vmax.f32 v20, v45  }
0x83: {  	v20 =	vmax.f32 v20, v46  }
0x84: {  	v20 =	vmax.f32 v20, v21  }
0x85: {  	s31 =	simm.s32 $0x100;
	v20 =	vmax.f32 v20, v22  }
0x86: {  	v21 =	vor.u32 s31, v3;
	v20 =	vmax.f32 v20, v23  }
0x87: {  	v22 =	vor.u32 s31, v2;
	vm5 =	vlt.f32 v20, $-1.000000020e+30  }
0x88: {  	v23 =	vor.u32 s31, v4;
	vm6 =	vgt.f32 v20, $5.000000070e-02;
	v47 =	vsel vm5, $0xFF800000, v18  }
0x89: {  	v48 =	vor.u32 s31, v5;
	v20 =	vsel vm6, v20, v47  }
0x8a: {  	v49 =	vor.u32 s31, v6;
	[tilespmem:s15+$0x0] =	vst v20  }
0x8b: {  	v20 =	vld.idx.msk [tilespmem:v21+s18+$0x0], $0xffff;
	v21 =	vor.u32 s31, v7  }
0x8c: {  	v50 =	vor.u32 s31, v8;
	v22 =	vld.idx.msk [tilespmem:v22+s18+$0x0], $0xffff  }
0x8d: {  	v51 =	vor.u32 s31, v9;
	v23 =	vld.idx.msk [tilespmem:v23+s18+$0x0], $0xffff  }
0x8e: {  	v52 =	vor.u32 s31, v10;
	v25 =	vld.idx.msk [tilespmem:v48+s18+$0x0], $0xffff  }
0x8f: {  	v53 =	vor.u32 s31, v11;
	v24 =	vld.idx.msk [tilespmem:v49+s18+$0x0], $0xffff  }
0x90: {  	v54 =	vor.u32 s31, v12;
	v21 =	vld.idx.msk [tilespmem:v21+s18+$0x0], $0xffff  }
0x91: {  	v55 =	vor.u32 s31, v13;
	v26 =	vld.idx.msk [tilespmem:v50+s18+$0x0], $0xffff;
	v20 =	vmax.f32 v22, v20  }
0x92: {  	v56 =	vor.u32 s31, v14;
	v22 =	vld.idx.msk [tilespmem:v51+s18+$0x0], $0xffff;
	v20 =	vmax.f32 v20, v23  }
0x93: {  	v57 =	vor.u32 s31, v15;
	v23 =	vld.idx.msk [tilespmem:v52+s18+$0x0], $0xffff;
	v20 =	vmax.f32 v20, v25  }
0x94: {  	v59 =	vor.u32 s31, v16;
	v58 =	vld.idx.msk [tilespmem:v53+s18+$0x0], $0xffff;
	v20 =	vmax.f32 v20, v24  }
0x95: {  	v61 =	vor.u32 s31, v17;
	v60 =	vld.idx.msk [tilespmem:v54+s18+$0x0], $0xffff;
	v20 =	vmax.f32 v20, v21  }
0x96: {  	v21 =	vld.idx.msk [tilespmem:v55+s18+$0x0], $0xffff;
	v20 =	vmax.f32 v20, v26  }
0x97: {  	v62 =	vld.idx.msk [tilespmem:v56+s18+$0x0], $0xffff;
	v20 =	vmax.f32 v20, v22  }
0x98: {  	v22 =	vld.idx.msk [tilespmem:v57+s18+$0x0], $0xffff;
	v20 =	vmax.f32 v20, v23  }
0x99: {  	v23 =	vld.idx.msk [tilespmem:v59+s18+$0x0], $0xffff;
	v20 =	vmax.f32 v20, v58  }
0x9a: {  	v63 =	vld.idx.msk [tilespmem:v61+s18+$0x0], $0xffff;
	v20 =	vmax.f32 v20, v60  }
0x9b: {  	v20 =	vmax.f32 v20, v21  }
0x9c: {  	v20 =	vmax.f32 v20, v62  }
0x9d: {  	v20 =	vmax.f32 v20, v22  }
0x9e: {  	s2 =	simm.s32 $0x200;
	v20 =	vmax.f32 v20, v23  }
0x9f: {  	v21 =	vor.u32 s2, v3;
	v22 =	vmax.f32 v20, v63  }
0xa0: {  	s29 =	simm.s32 $0x300;
	s0 =	simm.s32 $0x18900;
	v20 =	vor.u32 s2, v2;
	vm5 =	vlt.f32 v22, $-1.000000020e+30  }
.LBB2_3:
0xa1: {  	p0 =	sne.s32 s29, $0x4E00;
	v23 =	vor.u32 s2, v4;
	vm6 =	vgt.f32 v22, $5.000000070e-02;
	v24 =	vsel vm5, $0xFF800000, v18  }
0xa2: {  	v25 =	vor.u32 s2, v5;
	s0 =	sadd.s32 $0x10, s0;
	v22 =	vsel vm6, v22, v24  }
0xa3: {  	s28 =	simm.s32 $0x0;
	v24 =	vor.u32 s2, v6;
	[tilespmem:s0+$0x0] =	vst v22  }
0xa4: {  	v22 =	vor.u32 s2, v7;
	v21 =	vld.idx.msk [tilespmem:v21+s28+$0x0], $0xffff  }
0xa5: {  	v26 =	vor.u32 s2, v8;
	v20 =	vld.idx.msk [tilespmem:v20+s28+$0x0], $0xffff  }
0xa6: {  	v27 =	vor.u32 s2, v9;
	v23 =	vld.idx.msk [tilespmem:v23+s28+$0x0], $0xffff  }
0xa7: {  	v28 =	vor.u32 s2, v10;
	v25 =	vld.idx.msk [tilespmem:v25+s28+$0x0], $0xffff  }
0xa8: {  	v29 =	vor.u32 s2, v11;
	v24 =	vld.idx.msk [tilespmem:v24+s28+$0x0], $0xffff  }
0xa9: {  	v30 =	vor.u32 s2, v12;
	v22 =	vld.idx.msk [tilespmem:v22+s28+$0x0], $0xffff  }
0xaa: {  	v31 =	vor.u32 s2, v13;
	v26 =	vld.idx.msk [tilespmem:v26+s28+$0x0], $0xffff  }
0xab: {  	v20 =	vmax.f32 v20, v21;
	v21 =	vld.idx.msk [tilespmem:v27+s28+$0x0], $0xffff;
	v27 =	vor.u32 s2, v14  }
0xac: {  	v20 =	vmax.f32 v20, v23;
	v23 =	vld.idx.msk [tilespmem:v28+s28+$0x0], $0xffff;
	v28 =	vor.u32 s2, v15  }
0xad: {  	v20 =	vmax.f32 v20, v25;
	v25 =	vld.idx.msk [tilespmem:v29+s28+$0x0], $0xffff;
	v29 =	vor.u32 s2, v16  }
0xae: {  	v20 =	vmax.f32 v20, v24;
	v24 =	vld.idx.msk [tilespmem:v30+s28+$0x0], $0xffff;
	v30 =	vor.u32 s2, v17;
	s2 =	smov.u32 s29  }
0xaf: {  	v20 =	vmax.f32 v20, v22;
	v22 =	vld.idx.msk [tilespmem:v31+s28+$0x0], $0xffff  }
0xb0: {  	v20 =	vmax.f32 v20, v26;
	v26 =	vld.idx.msk [tilespmem:v27+s28+$0x0], $0xffff  }
0xb1: {  	v20 =	vmax.f32 v20, v21;
	v21 =	vld.idx.msk [tilespmem:v28+s28+$0x0], $0xffff  }
0xb2: {  	v20 =	vmax.f32 v20, v23;
	v23 =	vld.idx.msk [tilespmem:v29+s28+$0x0], $0xffff  }
0xb3: {  	v20 =	vmax.f32 v20, v25;
	v25 =	vld.idx.msk [tilespmem:v30+s28+$0x0], $0xffff  }
0xb4: {  	v20 =	vmax.f32 v20, v24  }
0xb5: {  	v20 =	vmax.f32 v20, v22  }
.Ltmp3:
0xb6: {  	v20 =	vmax.f32 v20, v26;
	(pc) =	sbr.rel @p0 .LBB2_3-.Ltmp3, $4  }
0xb7: {  	v20 =	vmax.f32 v20, v21  }
0xb8: {  	v20 =	vmax.f32 v20, v23  }
0xb9: {  	v21 =	vor.u32 s29, v3;
	v22 =	vmax.f32 v20, v25  }
0xba: {  	s29 =	sadd.s32 $0x100, s29;
	v20 =	vor.u32 s2, v2;
	vm5 =	vlt.f32 v22, $-1.000000020e+30  }
0xbb: {  	_ = 	snop  }
0xbc: {  	v23 =	vor.u32 s2, v4;
	vm6 =	vgt.f32 v22, $5.000000070e-02;
	v24 =	vsel vm5, $0xFF800000, v18  }
0xbd: {  	v25 =	vor.u32 s2, v5;
	s0 =	sadd.s32 $0x10, s0;
	v22 =	vsel vm6, v22, v24  }
0xbe: {  	v55 =	vor.u32 s2, v6;
	[tilespmem:s0+$0x0] =	vst v22  }
0xbf: {  	v22 =	vor.u32 s2, v7;
	v21 =	vld.idx.msk [tilespmem:v21+s28+$0x0], $0xffff  }
0xc0: {  	v26 =	vor.u32 s2, v8;
	v20 =	vld.idx.msk [tilespmem:v20+s28+$0x0], $0xffff  }
0xc1: {  	v27 =	vor.u32 s2, v9;
	v23 =	vld.idx.msk [tilespmem:v23+s28+$0x0], $0xffff  }
0xc2: {  	v28 =	vor.u32 s2, v10;
	v25 =	vld.idx.msk [tilespmem:v25+s28+$0x0], $0xffff  }
0xc3: {  	v29 =	vor.u32 s2, v11;
	v24 =	vld.idx.msk [tilespmem:v55+s28+$0x0], $0xffff  }
0xc4: {  	v30 =	vor.u32 s2, v12;
	v22 =	vld.idx.msk [tilespmem:v22+s28+$0x0], $0xffff  }
0xc5: {  	v31 =	vor.u32 s2, v13;
	v26 =	vld.idx.msk [tilespmem:v26+s28+$0x0], $0xffff;
	v20 =	vmax.f32 v20, v21  }
0xc6: {  	v56 =	vor.u32 s2, v14;
	v21 =	vld.idx.msk [tilespmem:v27+s28+$0x0], $0xffff;
	v20 =	vmax.f32 v20, v23  }
0xc7: {  	v57 =	vor.u32 s2, v15;
	v23 =	vld.idx.msk [tilespmem:v28+s28+$0x0], $0xffff;
	v20 =	vmax.f32 v20, v25  }
0xc8: {  	v59 =	vor.u32 s2, v16;
	v58 =	vld.idx.msk [tilespmem:v29+s28+$0x0], $0xffff;
	v20 =	vmax.f32 v20, v24  }
0xc9: {  	v61 =	vor.u32 s2, v17;
	v60 =	vld.idx.msk [tilespmem:v30+s28+$0x0], $0xffff;
	v20 =	vmax.f32 v20, v22  }
0xca: {  	v22 =	vld.idx.msk [tilespmem:v31+s28+$0x0], $0xffff;
	v20 =	vmax.f32 v20, v26  }
0xcb: {  	v62 =	vld.idx.msk [tilespmem:v56+s28+$0x0], $0xffff;
	v20 =	vmax.f32 v20, v21  }
0xcc: {  	v21 =	vld.idx.msk [tilespmem:v57+s28+$0x0], $0xffff;
	v20 =	vmax.f32 v20, v23  }
0xcd: {  	v23 =	vld.idx.msk [tilespmem:v59+s28+$0x0], $0xffff;
	v20 =	vmax.f32 v20, v58  }
0xce: {  	v63 =	vld.idx.msk [tilespmem:v61+s28+$0x0], $0xffff;
	v20 =	vmax.f32 v20, v60  }
0xcf: {  	v20 =	vmax.f32 v20, v22  }
0xd0: {  	v20 =	vmax.f32 v20, v62  }
0xd1: {  	v20 =	vmax.f32 v20, v21  }
0xd2: {  	p2 =	por $0x1, $0x1;
	v20 =	vmax.f32 v20, v23  }
.Ltmp4:
0xd3: {  	v20 =	vmax.f32 v20, v63;
	(pc) =	sbr.rel @!p2 .LBB2_5-.Ltmp4, $4  }
0xd4: {  	vm5 =	vlt.f32 v20, $-1.000000020e+30  }
0xd5: {  	vm6 =	vgt.f32 v20, $5.000000070e-02;
	v21 =	vsel vm5, $0xFF800000, v18  }
0xd6: {  	p0 =	por $0x0, $0x0;
	s0 =	sadd.s32 $0x10, s0;
	v20 =	vsel vm6, v20, v21  }
0xd7: {  	p1 =	por $0x0, $0x0;
	s2 =	simm.s32 $0x18E00;
	v21 =	vor.u32 s28, v3;
	[tilespmem:s0+$0x0] =	vst v20;
	v20 =	vor.u32 s28, v2;
	s0 =	simm.s32 $0x100  }
0xd8: {  	_ = 	snop  }
0xd9: {  	v22 =	vor.u32 s28, v4  }
0xda: {  	v23 =	vor.u32 s28, v5  }
0xdb: {  	v24 =	vor.u32 s28, v6  }
0xdc: {  	v21 =	vld.idx.msk [tilespmem:v21+s15+$0x0], $0xffff;
	v25 =	vor.u32 s28, v7  }
0xdd: {  	v20 =	vld.idx.msk [tilespmem:v20+s15+$0x0], $0xffff;
	v26 =	vor.u32 s28, v8  }
0xde: {  	v27 =	vor.u32 s28, v9;
	v22 =	vld.idx.msk [tilespmem:v22+s15+$0x0], $0xffff  }
0xdf: {  	v28 =	vor.u32 s28, v10;
	v23 =	vld.idx.msk [tilespmem:v23+s15+$0x0], $0xffff  }
0xe0: {  	v29 =	vor.u32 s28, v11;
	v24 =	vld.idx.msk [tilespmem:v24+s15+$0x0], $0xffff  }
0xe1: {  	v30 =	vor.u32 s28, v12;
	v25 =	vld.idx.msk [tilespmem:v25+s15+$0x0], $0xffff  }
0xe2: {  	v31 =	vor.u32 s28, v13;
	v26 =	vld.idx.msk [tilespmem:v26+s15+$0x0], $0xffff;
	v20 =	vmax.f32 v20, v21  }
0xe3: {  	v21 =	vld.idx.msk [tilespmem:v27+s15+$0x0], $0xffff;
	v27 =	vor.u32 s28, v14;
	v20 =	vmax.f32 v20, v22  }
0xe4: {  	v63 =	vor.u32 s28, v15;
	v22 =	vld.idx.msk [tilespmem:v28+s15+$0x0], $0xffff;
	v20 =	vmax.f32 v20, v23  }
0xe5: {  	v23 =	vld.idx.msk [tilespmem:v29+s15+$0x0], $0xffff;
	v20 =	vmax.f32 v20, v24  }
0xe6: {  	v24 =	vld.idx.msk [tilespmem:v30+s15+$0x0], $0xffff;
	v20 =	vmax.f32 v20, v25  }
0xe7: {  	v25 =	vld.idx.msk [tilespmem:v31+s15+$0x0], $0xffff;
	v20 =	vmax.f32 v20, v26  }
0xe8: {  	v27 =	vld.idx.msk [tilespmem:v27+s15+$0x0], $0xffff;
	v26 =	vor.u32 s28, v16;
	v20 =	vmax.f32 v20, v21  }
0xe9: {  	p2 =	por $0x1, $0x1;
	v28 =	vld.idx.msk [tilespmem:v63+s15+$0x0], $0xffff;
	v21 =	vor.u32 s28, v17;
	v20 =	vmax.f32 v20, v22  }
.Ltmp5:
0xea: {  	v20 =	vmax.f32 v20, v23;
	(pc) =	sbr.rel @!p2 .LBB2_7-.Ltmp5, $4  }
0xeb: {  	v20 =	vmax.f32 v20, v24  }
0xec: {  	v20 =	vmax.f32 v20, v25  }
0xed: {  	v23 =	vld.idx.msk [tilespmem:v26+s15+$0x0], $0xffff;
	v24 =	vmax.f32 v20, v27  }
0xee: {  	p0 =	por $0x1, $0x1;
	s28 =	simm.s32 $0x200;
	v22 =	vld.idx.msk [tilespmem:v21+s15+$0x0], $0xffff;
	v21 =	vor.u32 s0, v3;
	v20 =	vor.u32 s0, v2;
	v24 =	vmax.f32 v24, v28  }
0xef: {  	_ =	sdelay $0x2  }
0xf0: {  	v25 =	vor.u32 s0, v4;
	v23 =	vmax.f32 v24, v23  }
0xf1: {  	v24 =	vor.u32 s0, v5;
	v22 =	vmax.f32 v23, v22  }
0xf2: {  	v23 =	vor.u32 s0, v6;
	[tilespmem:s2+$0x0] =	vst v22  }
0xf3: {  	v22 =	vor.u32 s0, v7;
	v21 =	vld.idx.msk [tilespmem:v21+s15+$0x0], $0xffff  }
0xf4: {  	v26 =	vor.u32 s0, v8;
	v20 =	vld.idx.msk [tilespmem:v20+s15+$0x0], $0xffff  }
0xf5: {  	v27 =	vor.u32 s0, v9;
	v25 =	vld.idx.msk [tilespmem:v25+s15+$0x0], $0xffff  }
0xf6: {  	v24 =	vld.idx.msk [tilespmem:v24+s15+$0x0], $0xffff  }
0xf7: {  	v28 =	vor.u32 s0, v10;
	v23 =	vld.idx.msk [tilespmem:v23+s15+$0x0], $0xffff  }
0xf8: {  	v29 =	vor.u32 s0, v11;
	v22 =	vld.idx.msk [tilespmem:v22+s15+$0x0], $0xffff  }
0xf9: {  	v30 =	vor.u32 s0, v12;
	v26 =	vld.idx.msk [tilespmem:v26+s15+$0x0], $0xffff;
	v20 =	vmax.f32 v20, v21  }
0xfa: {  	v31 =	vor.u32 s0, v13;
	v21 =	vld.idx.msk [tilespmem:v27+s15+$0x0], $0xffff;
	v20 =	vmax.f32 v20, v25  }
0xfb: {  	v20 =	vmax.f32 v20, v24  }
0xfc: {  	v27 =	vor.u32 s0, v14;
	v25 =	vld.idx.msk [tilespmem:v28+s15+$0x0], $0xffff;
	v20 =	vmax.f32 v20, v23  }
0xfd: {  	v63 =	vor.u32 s0, v15;
	v24 =	vld.idx.msk [tilespmem:v29+s15+$0x0], $0xffff;
	v20 =	vmax.f32 v20, v22  }
0xfe: {  	v23 =	vld.idx.msk [tilespmem:v30+s15+$0x0], $0xffff;
	v20 =	vmax.f32 v20, v26;
	v26 =	vor.u32 s0, v16  }
0xff: {  	v22 =	vld.idx.msk [tilespmem:v31+s15+$0x0], $0xffff;
	v20 =	vmax.f32 v20, v21;
	v21 =	vor.u32 s0, v17;
	_ =	sdelay $0x1  }
0x100: {  	v27 =	vld.idx.msk [tilespmem:v27+s15+$0x0], $0xffff;
	v20 =	vmax.f32 v20, v25  }
0x101: {  	p2 =	por $0x1, $0x1;
	v28 =	vld.idx.msk [tilespmem:v63+s15+$0x0], $0xffff;
	v20 =	vmax.f32 v20, v24  }
.Ltmp6:
0x102: {  	v20 =	vmax.f32 v20, v23;
	v23 =	vld.idx.msk [tilespmem:v26+s15+$0x0], $0xffff;
	(pc) =	sbr.rel @!p2 .LBB2_9-.Ltmp6, $3  }
0x103: {  	v20 =	vmax.f32 v20, v22;
	v22 =	vld.idx.msk [tilespmem:v21+s15+$0x0], $0xffff;
	_ =	sdelay $0x1  }
0x104: {  	v24 =	vmax.f32 v20, v27;
	v21 =	vor.u32 s28, v3  }
0x105: {  	s29 =	simm.s32 $0x300;
	p1 =	por $0x1, $0x1;
	s0 =	simm.s32 $0x18E00;
	v20 =	vor.u32 s28, v2;
	v24 =	vmax.f32 v24, v28  }
.LBB2_10:
0x106: {  	p2 =	sne.s32 s29, $0x400;
	v25 =	vor.u32 s28, v4;
	v23 =	vmax.f32 v24, v23  }
0x107: {  	v24 =	vor.u32 s28, v5;
	s0 =	sadd.s32 $0x10, s0;
	v22 =	vmax.f32 v23, v22  }
0x108: {  	v23 =	vor.u32 s28, v6;
	[tilespmem:s0+$0x0] =	vst v22  }
0x109: {  	v22 =	vor.u32 s28, v7;
	v21 =	vld.idx.msk [tilespmem:v21+s15+$0x0], $0xffff  }
0x10a: {  	v26 =	vor.u32 s28, v8;
	v20 =	vld.idx.msk [tilespmem:v20+s15+$0x0], $0xffff  }
0x10b: {  	v27 =	vor.u32 s28, v9;
	v25 =	vld.idx.msk [tilespmem:v25+s15+$0x0], $0xffff  }
0x10c: {  	v28 =	vor.u32 s28, v10;
	v24 =	vld.idx.msk [tilespmem:v24+s15+$0x0], $0xffff  }
0x10d: {  	v29 =	vor.u32 s28, v11;
	v23 =	vld.idx.msk [tilespmem:v23+s15+$0x0], $0xffff  }
0x10e: {  	v30 =	vor.u32 s28, v12;
	v22 =	vld.idx.msk [tilespmem:v22+s15+$0x0], $0xffff  }
0x10f: {  	v31 =	vor.u32 s28, v13;
	v26 =	vld.idx.msk [tilespmem:v26+s15+$0x0], $0xffff  }
0x110: {  	v20 =	vmax.f32 v20, v21;
	v21 =	vld.idx.msk [tilespmem:v27+s15+$0x0], $0xffff;
	v27 =	vor.u32 s28, v14  }
0x111: {  	v20 =	vmax.f32 v20, v25;
	v25 =	vld.idx.msk [tilespmem:v28+s15+$0x0], $0xffff;
	v28 =	vor.u32 s28, v15  }
0x112: {  	v20 =	vmax.f32 v20, v24;
	v24 =	vld.idx.msk [tilespmem:v29+s15+$0x0], $0xffff;
	v29 =	vor.u32 s28, v16  }
0x113: {  	v32 =	vor.u32 s28, v17;
	v20 =	vmax.f32 v20, v23;
	s28 =	smov.u32 s29;
	v30 =	vld.idx.msk [tilespmem:v30+s15+$0x0], $0xffff  }
0x114: {  	v20 =	vmax.f32 v20, v22;
	v31 =	vld.idx.msk [tilespmem:v31+s15+$0x0], $0xffff  }
0x115: {  	v20 =	vmax.f32 v20, v26;
	v26 =	vld.idx.msk [tilespmem:v27+s15+$0x0], $0xffff  }
0x116: {  	v20 =	vmax.f32 v20, v21;
	v27 =	vld.idx.msk [tilespmem:v28+s15+$0x0], $0xffff  }
0x117: {  	v20 =	vmax.f32 v20, v25;
	v23 =	vld.idx.msk [tilespmem:v29+s15+$0x0], $0xffff  }
.Ltmp7:
0x118: {  	v20 =	vmax.f32 v20, v24;
	v22 =	vld.idx.msk [tilespmem:v32+s15+$0x0], $0xffff;
	(pc) =	sbr.rel @p2 .LBB2_10-.Ltmp7, $4  }
0x119: {  	v20 =	vmax.f32 v20, v30  }
0x11a: {  	v20 =	vmax.f32 v20, v31  }
0x11b: {  	v21 =	vor.u32 s29, v3;
	v24 =	vmax.f32 v20, v26  }
0x11c: {  	s29 =	sadd.s32 $0x100, s29;
	v20 =	vor.u32 s28, v2;
	v24 =	vmax.f32 v24, v27  }
.LBB2_11:
0x11d: {  	_ = 	snop  }
0x11e: {  	v25 =	vor.u32 s28, v4;
	v23 =	vmax.f32 @p0 v24, v23;
	s0 =	sadd.s32 @p1 $0x10, s0;
	s1 =	simm.s32 $0x18E00  }
0x11f: {  	v53 =	vor.u32 s28, v5;
	v22 =	vmax.f32 @p0 v23, v22;
	s1 =	smov.u32 @p1 s0  }
0x120: {  	v23 =	vor.u32 s28, v6;
	[tilespmem:s1+$0x0] =	vst @p0 v22  }
0x121: {  	v22 =	vor.u32 s28, v7;
	v21 =	vld.idx.msk [tilespmem:v21+s15+$0x0], $0xffff  }
0x122: {  	v26 =	vor.u32 s28, v8;
	v20 =	vld.idx.msk [tilespmem:v20+s15+$0x0], $0xffff  }
0x123: {  	v27 =	vor.u32 s28, v9;
	v25 =	vld.idx.msk [tilespmem:v25+s15+$0x0], $0xffff  }
0x124: {  	v28 =	vor.u32 s28, v10;
	v24 =	vld.idx.msk [tilespmem:v53+s15+$0x0], $0xffff  }
0x125: {  	v29 =	vor.u32 s28, v11;
	v23 =	vld.idx.msk [tilespmem:v23+s15+$0x0], $0xffff  }
0x126: {  	v30 =	vor.u32 s28, v12;
	v22 =	vld.idx.msk [tilespmem:v22+s15+$0x0], $0xffff  }
0x127: {  	v31 =	vor.u32 s28, v13;
	v26 =	vld.idx.msk [tilespmem:v26+s15+$0x0], $0xffff;
	v20 =	vmax.f32 v20, v21  }
0x128: {  	v54 =	vor.u32 s28, v14;
	v21 =	vld.idx.msk [tilespmem:v27+s15+$0x0], $0xffff;
	v20 =	vmax.f32 v20, v25  }
0x129: {  	v56 =	vor.u32 s28, v15;
	v55 =	vld.idx.msk [tilespmem:v28+s15+$0x0], $0xffff;
	v20 =	vmax.f32 v20, v24  }
0x12a: {  	v58 =	vor.u32 s28, v16;
	v57 =	vld.idx.msk [tilespmem:v29+s15+$0x0], $0xffff;
	v20 =	vmax.f32 v20, v23  }
0x12b: {  	v59 =	vor.u32 s28, v17;
	v23 =	vld.idx.msk [tilespmem:v30+s15+$0x0], $0xffff;
	v20 =	vmax.f32 v20, v22  }
0x12c: {  	v22 =	vld.idx.msk [tilespmem:v31+s15+$0x0], $0xffff;
	v20 =	vmax.f32 v20, v26  }
0x12d: {  	v60 =	vld.idx.msk [tilespmem:v54+s15+$0x0], $0xffff;
	v20 =	vmax.f32 v20, v21  }
0x12e: {  	v21 =	vld.idx.msk [tilespmem:v56+s15+$0x0], $0xffff;
	v20 =	vmax.f32 v20, v55  }
0x12f: {  	v61 =	vld.idx.msk [tilespmem:v58+s15+$0x0], $0xffff;
	v20 =	vmax.f32 v20, v57  }
0x130: {  	v62 =	vld.idx.msk [tilespmem:v59+s15+$0x0], $0xffff;
	v20 =	vmax.f32 v20, v23  }
0x131: {  	v20 =	vmax.f32 v20, v22  }
0x132: {  	v20 =	vmax.f32 v20, v60  }
0x133: {  	v20 =	vmax.f32 v20, v21  }
0x134: {  	s0 =	sadd.s32 @p0 $0x10, s1;
	v20 =	vmax.f32 v20, v61  }
0x135: {  	s2 =	smov.u32 @p0 s0;
	v20 =	vmax.f32 v20, v62  }
0x136: {  	[tilespmem:s2+$0x0] =	vst v20  }
0x137: {  	v20 =	vld [tilespmem:$0x18E00]  }
0x138: {  	v21 =	vld [tilespmem:$0x18E10]  }
0x139: {  	v22 =	vld [tilespmem:$0x18E20]  }
0x13a: {  	v23 =	vld [tilespmem:$0x18E30]  }
0x13b: {  	v63 =	vld [tilespmem:$0x18E40]  }
0x13c: {  	(xrf0) =	vmax.scan.msk.f32 $0xffff, v20  }
0x13d: {  	(xrf0) =	vmax.scan.msk.f32 $0xffff, v21  }
0x13e: {  	(xrf0) =	vmax.scan.msk.f32 $0xffff, v22  }
0x13f: {  	(xrf0) =	vmax.scan.msk.f32 $0xffff, v23  }
0x140: {  	(xrf0) =	vmax.scan.msk.f32 $0xffff, v63;
	_ =	sdelay $0x1  }
0x141: {  	v20, _, _ =	vpop (xrf0)  }
0x142: {  	v21, _, _ =	vpop (xrf0)  }
0x143: {  	v22, _, _ =	vpop (xrf0)  }
0x144: {  	v23, _, _ =	vpop (xrf0)  }
0x145: {  	v24, _, _ =	vpop (xrf0)  }
0x146: {  	_ =	swait.ge [sflag:s16], $0x4E80  }
0x147: {  	[sflag:s16] =	ssyncset.done $0x0  }
0x148: {  	[sflag:s16] =	ssyncadd.s32 $0xFFFFB180  }
0x149: {  	v20 =	vbroadcast v20, $0xF;
	_ =	swait.ge [sflag:s16], $0x4E80  }
0x14a: {  	v21 =	vbroadcast v21, $0xF;
	[sflag:s16] =	ssyncset.done $0x0  }
0x14b: {  	v20 =	vnsel vm0, $0xFF800000, v20;
	v22 =	vbroadcast v22, $0xF;
	[sflag:s16] =	ssyncadd.s32 $0xFFFFB180  }
0x14c: {  	v20 =	vsel vm1, v20, v21;
	v21 =	vbroadcast v23, $0xF;
	_ =	swait.ge [sflag:s16], $0x4E80  }
0x14d: {  	v20 =	vsel vm2, v20, v22;
	v22 =	vbroadcast v24, $0xF;
	[sflag:s16] =	ssyncset.done $0x0  }
0x14e: {  	v20 =	vsel vm3, v20, v21;
	[sflag:s16] =	ssyncadd.s32 $0xFFFFB180  }
0x14f: {  	v20 =	vsel vm4, v20, v22;
	_ =	swait.ge [sflag:s16], $0x4E80  }
0x150: {  	(xrf0) =	vmax.scan.msk.f32 $0xffff, v20;
	_ =	sdelay $0x5  }
0x151: {  	v21, _, _ =	vpop (xrf0)  }
0x152: {  	(v2sf) =	vpush v21, $0xF;
	_ =	sdelay $0xa  }
.Ltmp8:
0x153: {  	_ = 	snop;
	(pc) =	sbr.rel .LBB2_12-.Ltmp8, $3  }
0x154: {  	_ =	sdelay $0x1  }
0x155: {  	s29 =	simm.s32 $0x0;
	s28 =	simm.s32 $0x0;
	[sflag:s16] =	ssyncset.done $0x0  }
0x156: {  	s0 =	simm.s32 $0x0;
	[sflag:s16] =	ssyncadd.s32 $0xFFFFB180;
	s31 =	spop (v2sf)  }
.LBB2_13:
0x157: {  	v36 =	vimm.f32 $-1.000000000e+00  }
.LBB2_32:
0x158: {  	(xrf0) =	vmax.scan.msk.f32 $0xffff, v36;
	_ =	sdelay $0x5  }
0x159: {  	v36, _, _ =	vpop (xrf0)  }
0x15a: {  	(v2sf) =	vpush v36, $0xF;
	_ =	sdelay $0x3  }
0x15b: {  	vm5 =	veq.s32 v34, v0  }
0x15c: {  	v32 =	vsel vm5, $0xFF800000, v32;
	vm5 =	veq.s32 v31, v0  }
0x15d: {  	v30 =	vsel vm5, $0xFF800000, v30;
	vm5 =	veq.s32 v29, v0;
	(xrf0) =	vmax.scan.msk.f32 $0xffff, v32  }
0x15e: {  	vm6 =	veq.s32 v35, v0;
	v29 =	vsel vm5, $0xFF800000, v20;
	(xrf0) =	vmax.scan.msk.f32 $0xffff, v30  }
0x15f: {  	v51 =	vsel vm6, $0xFF800000, v33;
	(xrf0) =	vmax.scan.msk.f32 $0xffff, v29  }
0x160: {  	(xrf0) =	vmax.scan.msk.f32 $0xffff, v51;
	_ =	sdelay $0x2  }
0x161: {  	v52, _, _ =	vpop (xrf0)  }
0x162: {  	v53, _, _ =	vpop (xrf0);
	(v2sf) =	vpush v52, $0xF  }
0x163: {  	v54, _, _ =	vpop (xrf0);
	(v2sf) =	vpush v53, $0xF  }
0x164: {  	v55, _, _ =	vpop (xrf0);
	s0 =	spop (v2sf);
	(v2sf) =	vpush v54, $0xF  }
0x165: {  	(v2sf) =	vpush v55, $0xF;
	_ =	sdelay $0x1  }
0x166: {  	p0 =	sgt.f32 s31, $-1.000000000e+08  }
0x167: {  	p1 =	sgt.f32 s0, $5.000000000e-01  }
0x168: {  	p2 =	por !p0, !p0  }
0x169: {  	p6 =	slt.s32 s28, $0x64;
	p3 =	por p2, p1  }
0x16a: {  	s0 =	smov.u32 s30;
	p2 =	por !p6, !p3  }
0x16b: {  	s1 =	smov.u32 s28;
	s0 =	simm.s32 @p3 $0x65;
	p2 =	por !p2, !p2  }
0x16c: {  	v56 =	vmov s0;
	s1 =	simm.s32 @!p2 $0x65  }
0x16d: {  	v57 =	vmov s1  }
0x16e: {  	v31 =	vmul.u32 $0x5, v57  }
0x16f: {  	v58 =	vmul.u32 $0x5, v56  }
0x170: {  	p3 =	por !p3, !p3;
	s0 =	simm.s32 $0x1;
	s7 =	spop (v2sf);
	v31 =	vbroadcast v31, $0x0  }
0x171: {  	s0 =	simm.s32 @!p3 $0x0;
	s2 =	spop (v2sf);
	v32 =	vadd.s32 v0, v58;
	[tilespmem:v56+s19+$0x0] =	vst.idx.msk $0x1, v27  }
0x172: {  	v59 =	vsel vm1, v27, v28;
	s0 =	sadd.s32 s0, s30;
	[tilespmem:v56+s20+$0x0] =	vst.idx.msk $0x1, v28;
	v60 =	vadd.s32 v0, v31;
	s3 =	spop (v2sf)  }
0x173: {  	p3 =	sgt.u32 s0, $0x63;
	v27 =	vsel vm2, v59, v25;
	[tilespmem:v56+s21+$0x0] =	vst.idx.msk $0x1, v25;
	s4 =	spop (v2sf)  }
0x174: {  	v61 =	vmov s31;
	p4 =	slt.u32 @!p3 s29, $0x4E1F;
	v27 =	vsel vm3, v27, v24;
	[tilespmem:v56+s22+$0x0] =	vst.idx.msk $0x1, v24;
	s1 =	smax.f32 s4, s7;
	s4 =	simm.s32 $0x1  }
0x175: {  	v62 =	vsel vm4, v27, v61;
	[tilespmem:v56+s23+$0x0] =	vst.idx.msk $0x1, v26;
	s4 =	simm.s32 @!p2 $0x0;
	p2 =	por p3, !p4  }
.Ltmp9:
0x176: {  	[tilespmem:v32+s24+$0x0] =	vst.idx.msk $0x1f, v62;
	(pc) =	sbr.rel @p2 .LBB2_14-.Ltmp9, $4  }
0x177: {  	v63 =	vbroadcast v55, $0xF;
	[tilespmem:v60+s25+$0x0] =	vst.idx.msk $0x1f, v62  }
0x178: {  	[tilespmem:v23+s18+$0x0] =	vst.idx.msk $0x1, v1  }
0x179: {  	s2 =	smax.f32 s1, s2;
	v23 =	vmov s1;
	[tilespmem:v22+s15+$0x0] =	vst.idx.msk $0x1, v63  }
0x17a: {  	s29 =	sadd.s32 $0x1, s29;
	v20 =	vsel vm5, s2, v20;
	s31 =	smax.f32 s2, s3;
	s28 =	sadd.s32 s4, s28;
	[tilespmem:v21+s17+$0x0] =	vst.idx.msk $0x1, v23  }
.LBB2_12:
0x17b: {  	vm5 =	veq.f32 v20, s31  }
0x17c: {  	v29 =	vmctz.xlane vm5;
	_ =	sdelay $0x1  }
0x17d: {  	v21 =	vshll.u32 v29, $0x4  }
0x17e: {  	v22 =	vor.u32 v0, v21;
	_ =	sdelay $0x4  }
0x17f: {  	v30 =	vld.idx.msk [tilespmem:v22+s17+$0x0], $0xffff;
	_ =	sdelay $0x4  }
0x180: {  	vm5 =	veq.f32 v30, s31  }
0x181: {  	v31 =	vmctz.xlane vm5;
	_ =	sdelay $0x1  }
0x182: {  	v21 =	vadd.s32 v21, v31  }
0x183: {  	v22 =	vshll.u32 v21, $0x4  }
0x184: {  	v23 =	vor.u32 v0, v22;
	_ =	sdelay $0x4  }
0x185: {  	v32 =	vld.idx.msk [tilespmem:v23+s15+$0x0], $0xffff;
	_ =	sdelay $0x4  }
0x186: {  	vm5 =	veq.f32 v32, s31  }
0x187: {  	v34 =	vmctz.xlane vm5;
	_ =	sdelay $0x1  }
0x188: {  	v22 =	vadd.s32 v34, v22  }
0x189: {  	v23 =	vshll.u32 v22, $0x4  }
0x18a: {  	v24 =	vor.u32 v0, v23;
	_ =	sdelay $0x4  }
0x18b: {  	v24 =	vld.idx.msk [tilespmem:v24+s18+$0x0], $0xffff;
	_ =	sdelay $0x4  }
0x18c: {  	vm5 =	vlt.f32 v24, $-1.000000020e+30  }
0x18d: {  	vm6 =	vgt.f32 v24, $5.000000070e-02;
	v25 =	vsel vm5, $0xFF800000, v18  }
0x18e: {  	v33 =	vsel vm6, v24, v25  }
0x18f: {  	vm5 =	veq.f32 v33, s31  }
0x190: {  	v35 =	vmctz.xlane vm5;
	_ =	sdelay $0x1  }
0x191: {  	v23 =	vadd.s32 v35, v23;
	_ =	sdelay $0x4  }
0x192: {  	v27 =	vld.idx.msk [tilespmem:v23+s10+$0x0], $0xffff  }
0x193: {  	v28 =	vld.idx.msk [tilespmem:v23+s11+$0x0], $0xffff  }
0x194: {  	v25 =	vld.idx.msk [tilespmem:v23+s12+$0x0], $0xffff  }
0x195: {  	v24 =	vld.idx.msk [tilespmem:v23+s13+$0x0], $0xffff  }
0x196: {  	s7 =	sadd.s32 $0xF, s0  }
0x197: {  	s30 =	smov.u32 s0;
	s0 =	sshrl.u32 s7, $0x4  }
0x198: {  	p0 =	seq.s32 s0, $0x0  }
.Ltmp10:
0x199: {  	_ = 	snop;
	(pc) =	sbr.rel @p0 .LBB2_13-.Ltmp10, $3  }
0x19a: {  	v26 =	vsub.f32 v25, v27;
	v36 =	vsub.f32 v24, v28;
	_ =	sdelay $0x1  }
0x19b: {  	v26 =	vmax.f32 v26, $0.0e+00;
	v36 =	vmax.f32 v36, $0.0e+00  }
0x19c: {  	v26 =	vmul.f32 v36, v26  }
0x19d: {  	s1 =	simm.s32 $0x18E80;
	p4 =	sne.s32 s0, $0x1  }
.Ltmp11:
0x19e: {  	s2 =	simm.s32 $0x18F00;
	v40 =	vld [tilespmem:s1+$0x0];
	(pc) =	sbr.rel @!p4 .LBB2_20-.Ltmp11, $4  }
0x19f: {  	s7 =	simm.s32 $0x18F80;
	v41 =	vld [tilespmem:s2+$0x0]  }
0x1a0: {  	s3 =	simm.s32 $0x19000;
	s4 =	simm.s32 $0x19080;
	s0 =	sadd.s32 $0xFFFFFFFF, s0;
	v52 =	vld [tilespmem:s7+$0x0]  }
0x1a1: {  	p0 =	por $0x0, $0x0;
	p1 =	por $0x0, $0x0;
	p2 =	por $0x0, $0x0;
	v38 =	vld [tilespmem:s3+$0x0]  }
0x1a2: {  	v36 =	vadd.s32 s30, v19;
	v37 =	vimm.f32 $-1.000000000e+00;
	p3 =	por $0x0, $0x0;
	s2 =	simm.s32 $0x0;
	s1 =	simm.s32 $0x18E90;
	v39 =	vld [tilespmem:s4+$0x0]  }
0x1a3: {  	_ = 	snop  }
0x1a4: {  	p4 =	sne.s32 s0, $0x1  }
.Ltmp12:
0x1a5: {  	v46 =	vld [tilespmem:s1+$0x0];
	s4 =	simm.s32 $0x18F10;
	v40 =	vmax.f32 v40, v27;
	(pc) =	sbr.rel @!p4 .LBB2_22-.Ltmp12, $4  }
0x1a6: {  	s7 =	simm.s32 $0x19090;
	v47 =	vld [tilespmem:s4+$0x0];
	v41 =	vmax.f32 v41, v28;
	v42 =	vmin.f32 v52, v25;
	v38 =	vmin.f32 v38, v24  }
0x1a7: {  	s5 =	simm.s32 $0x18F90;
	v48 =	vld [tilespmem:s7+$0x0];
	v40 =	vsub.f32 v42, v40;
	v41 =	vsub.f32 v38, v41  }
0x1a8: {  	s6 =	simm.s32 $0x19010;
	v52 =	vld [tilespmem:s5+$0x0]  }
0x1a9: {  	s0 =	sadd.s32 $0xFFFFFFFF, s0;
	s1 =	simm.s32 $0x18EA0;
	p0 =	por $0x1, $0x1;
	v38 =	vld [tilespmem:s6+$0x0];
	v44 =	vadd.f32 v39, v26;
	v49 =	vmax.f32 v40, $0.0e+00;
	v51 =	vmax.f32 v41, $0.0e+00  }
0x1aa: {  	_ =	sdelay $0x1  }
0x1ab: {  	v39 =	vmul.f32 v51, v49;
	p4 =	sne.s32 s0, $0x1  }
.Ltmp13:
0x1ac: {  	v42 =	vld [tilespmem:s1+$0x0];
	s4 =	simm.s32 $0x18F20;
	v40 =	vmax.f32 v46, v27;
	v41 =	vmax.f32 v47, v28;
	(pc) =	sbr.rel @!p4 .LBB2_24-.Ltmp13, $4  }
0x1ad: {  	s7 =	simm.s32 $0x190A0;
	v47 =	vld [tilespmem:s4+$0x0];
	v44 =	vsub.f32 v44, v39;
	v43 =	vmin.f32 v52, v25;
	v38 =	vmin.f32 v38, v24  }
0x1ae: {  	s5 =	simm.s32 $0x18FA0;
	v54 =	vld [tilespmem:s7+$0x0];
	v40 =	vsub.f32 v43, v40;
	v41 =	vsub.f32 v38, v41  }
0x1af: {  	s6 =	simm.s32 $0x19020;
	v52 =	vld [tilespmem:s5+$0x0];
	v43 =	vadd.f32 $9.999999710e-10, v44  }
0x1b0: {  	s0 =	sadd.s32 $0xFFFFFFFF, s0;
	s1 =	simm.s32 $0x18EB0;
	p1 =	por $0x1, $0x1;
	v44 =	vadd.f32 v48, v26;
	v38 =	vld [tilespmem:s6+$0x0];
	v49 =	vmax.f32 v40, $0.0e+00;
	v51 =	vmax.f32 v41, $0.0e+00  }
0x1b1: {  	_ =	sdelay $0x1  }
0x1b2: {  	v40 =	vmul.f32 v51, v49;
	p4 =	sne.s32 s0, $0x1  }
.Ltmp14:
0x1b3: {  	v46 =	vld [tilespmem:s1+$0x0];
	s4 =	simm.s32 $0x18F30;
	v41 =	vmax.f32 v42, v27;
	v62 =	vmax.f32 v47, v28;
	(pc) =	sbr.rel @!p4 .LBB2_26-.Ltmp14, $4  }
0x1b4: {  	s7 =	simm.s32 $0x190B0;
	v47 =	vld [tilespmem:s4+$0x0];
	v44 =	vsub.f32 v44, v40;
	v45 =	vmin.f32 v52, v25;
	v38 =	vmin.f32 v38, v24  }
0x1b5: {  	s5 =	simm.s32 $0x18FB0;
	v48 =	vld [tilespmem:s7+$0x0];
	v41 =	vsub.f32 v45, v41;
	v63 =	vsub.f32 v38, v62  }
0x1b6: {  	s6 =	simm.s32 $0x19030;
	(erf) = vrcp.f32 v43;
	v52 =	vld [tilespmem:s5+$0x0];
	v42 =	vadd.f32 $9.999999710e-10, v44  }
0x1b7: {  	s0 =	sadd.s32 $0xFFFFFFFF, s0;
	s1 =	simm.s32 $0x18EC0;
	p2 =	por $0x1, $0x1;
	v44 =	vadd.f32 v54, v26;
	v38 =	vld [tilespmem:s6+$0x0];
	v49 =	vmax.f32 v41, $0.0e+00;
	v51 =	vmax.f32 v63, $0.0e+00  }
0x1b8: {  	_ =	sdelay $0x3  }
0x1b9: {  	v41 =	vmul.f32 v51, v49;
	(erf) = vrcp.f32 v42;
	v56 =	vld [tilespmem:s1+$0x0];
	s4 =	simm.s32 $0x18FC0;
	p4 =	sne.s32 s0, $0x1  }
.Ltmp15:
0x1ba: {  	s3 =	simm.s32 $0x18F40;
	v43 =	vmax.f32 v46, v27;
	v62 =	vmov s2;
	v61 =	vmax.f32 v47, v28;
	v54 =	vld [tilespmem:s4+$0x0];
	(pc) =	sbr.rel @!p4 .LBB2_28-.Ltmp15, $4  }
0x1bb: {  	s1 =	simm.s32 $0x19040;
	v44 =	vsub.f32 v44, v41;
	v45 =	vmin.f32 v52, v25;
	v52 =	vld [tilespmem:s3+$0x0];
	v38 =	vmin.f32 v38, v24  }
0x1bc: {  	vm5 =	vlt.s32 v62, v36;
	v45 =	vsub.f32 v45, v43;
	v46 =	vsub.f32 v38, v61;
	v38 =	vld [tilespmem:s1+$0x0];
	v63 =	vpop (erf)  }
0x1bd: {  	s5 =	sadd.s32 $0xFFFFFFFF, s0;
	s6 =	simm.s32 $0x190C0;
	v43 =	vadd.f32 $9.999999710e-10, v44;
	v44 =	vadd.f32 v48, v26;
	v50 =	vmul.f32 v63, v39  }
0x1be: {  	s7 =	simm.s32 $0x18ED0;
	p3 =	por $0x1, $0x1;
	s0 =	simm.s32 $0x0;
	v53 =	vmovc v40;
	v55 =	vld [tilespmem:s6+$0x0];
	v49 =	vmax.f32 v45, $0.0e+00;
	v45 =	vimm.f32 $-1.000000000e+00;
	v51 =	vmax.f32 v46, $0.0e+00  }
.LBB2_29:
0x1bf: {  	v46 =	vld [tilespmem:s7+$0x0];
	s3 =	sadd.s32 $0x10, s3;
	v47 =	vmul.f32 v51, v49;
	(erf) = vrcp.f32 v43;
	v43 =	vnsel vm5, $0xBF800000, v50;
	p4 =	sne.s32 s5, $0x1  }
.Ltmp16:
0x1c0: {  	v48 =	vmax.f32 v56, v27;
	v49 =	vmax.f32 v52, v28;
	s4 =	sadd.s32 $0x10, s4;
	v52 =	vld [tilespmem:s3+$0x0];
	v45 =	vmax.f32 v45, v43;
	(pc) =	sbr.rel @p4 .LBB2_29-.Ltmp16, $4  }
0x1c1: {  	s1 =	sadd.s32 $0x10, s1;
	s0 =	sadd.s32 $0x10, s0;
	v43 =	vmin.f32 v54, v25;
	v54 =	vld [tilespmem:s4+$0x0];
	v56 =	vmin.f32 v38, v24;
	v44 =	vsub.f32 v44, v47  }
0x1c2: {  	s5 =	sadd.s32 $0xFFFFFFFF, s5;
	v48 =	vsub.f32 v43, v48;
	v38 =	vld [tilespmem:s1+$0x0];
	v51 =	vsub.f32 v56, v49;
	v49 =	vmov s0;
	v50 =	vpop (erf)  }
0x1c3: {  	s6 =	sadd.s32 $0x10, s6;
	v43 =	vadd.f32 $9.999999710e-10, v44;
	v50 =	vmul.f32 v50, v53;
	vm5 =	vlt.s32 v49, v36;
	v53 =	vmovc v41;
	v41 =	vmovc v47  }
0x1c4: {  	s7 =	sadd.s32 $0x10, s7;
	v49 =	vmax.f32 v48, $0.0e+00;
	v44 =	vadd.f32 v55, v26;
	v51 =	vmax.f32 v51, $0.0e+00;
	v55 =	vld [tilespmem:s6+$0x0];
	v56 =	vmovc v46  }
0x1c5: {  	_ =	sdelay $0x3  }
0x1c6: {  	v46 =	vmovc v56;
	v47 =	vmov v52;
	v52 =	vmov v54;
	v48 =	vmov v55  }
.LBB2_31:
0x1c7: {  	v49 =	vmul.f32 @p0 v51, v49;
	v46 =	vmax.f32 v46, v27  }
0x1c8: {  	v47 =	vmax.f32 v47, v28;
	v56 =	vmin.f32 v52, v25;
	v38 =	vmin.f32 v38, v24  }
0x1c9: {  	v46 =	vsub.f32 v56, v46;
	v38 =	vsub.f32 v38, v47  }
0x1ca: {  	v44 =	vsub.f32 @p0 v44, v49  }
0x1cb: {  	(erf) = vrcp.f32 @p1 v43;
	v57 =	vmax.f32 v46, $0.0e+00;
	v38 =	vmax.f32 v38, $0.0e+00  }
0x1cc: {  	v58 =	vadd.f32 v48, v26;
	v44 =	vadd.f32 @p0 $9.999999710e-10, v44;
	v38 =	vmul.f32 v38, v57;
	_ =	sdelay $0x1  }
0x1cd: {  	s0 =	sadd.s32 @p3 $0x10, s0;
	s1 =	simm.s32 $0x0;
	v42 =	vpsel p0, v44, v42;
	v43 =	vsub.f32 v58, v38  }
0x1ce: {  	s1 =	smov.u32 @p3 s0;
	(erf) = vrcp.f32 @p0 v42  }
0x1cf: {  	s0 =	sadd.s32 @p2 $0x10, s1;
	v46 =	vmov @p2 s1;
	s1 =	simm.s32 $0x0;
	v59 =	vadd.f32 $9.999999710e-10, v43  }
0x1d0: {  	s1 =	smov.u32 @p2 s0  }
0x1d1: {  	v39 =	vpsel p1, v41, v39;
	v41 =	vmov @p1 s1;
	s0 =	sadd.s32 @p1 $0x10, s1;
	s1 =	simm.s32 $0x0;
	v44 =	vpop @p2 (erf);
	(erf) = vrcp.f32 v59  }
0x1d2: {  	s1 =	smov.u32 @p1 s0;
	v43 =	vnsel @p3 vm5, $0xBF800000, v50  }
0x1d3: {  	s0 =	sadd.s32 @p0 $0x10, s1;
	vm5 =	vlt.s32 @p2 v46, v36;
	v44 =	vmul.f32 @p2 v44, v53;
	v42 =	vmax.f32 @p3 v45, v43  }
0x1d4: {  	s2 =	smov.u32 @p0 s0;
	vm5 =	vmmov @p2 vm5;
	v45 =	vpop @p1 (erf);
	v42 =	vpsel p3, v42, v37  }
0x1d5: {  	v61 =	vmov s2;
	v39 =	vmul.f32 @p1 v45, v39;
	v43 =	vmovc @p0 v49;
	v44 =	vpsel p2, v44, v0  }
0x1d6: {  	v40 =	vpsel p0, v43, v40;
	v43 =	vnsel @p2 vm5, $0xBF800000, v44;
	vm5 =	vlt.s32 @p1 v41, v36  }
0x1d7: {  	v39 =	vpsel p1, v39, v0;
	v41 =	vmax.f32 @p2 v42, v43;
	v40 =	vpsel p0, v40, v0;
	v42 =	vpop @p0 (erf)  }
0x1d8: {  	vm5 =	vmmov @p1 vm5;
	v43 =	vmov @p0 s1;
	v40 =	vmul.f32 @p0 v42, v40  }
0x1d9: {  	v41 =	vpsel p2, v41, v37;
	v39 =	vnsel @p1 vm5, $0xBF800000, v39;
	vm5 =	vlt.s32 @p0 v43, v36  }
.Ltmp17:
0x1da: {  	v39 =	vmax.f32 @p1 v41, v39;
	vm5 =	vmmov @p0 vm5;
	v40 =	vpsel p0, v40, v0;
	v60 =	vpop (erf);
	(pc) =	sbr.rel .LBB2_32-.Ltmp17, $4  }
0x1db: {  	v39 =	vpsel p1, v39, v37;
	v40 =	vnsel @p0 vm5, $0xBF800000, v40;
	v38 =	vmul.f32 v60, v38  }
0x1dc: {  	vm5 =	vlt.s32 v61, v36;
	v39 =	vmax.f32 @p0 v39, v40  }
0x1dd: {  	v62 =	vpsel p0, v39, v37;
	v63 =	vnsel vm5, $0xBF800000, v38  }
0x1de: {  	v36 =	vmax.f32 v62, v63  }
.LBB2_20:
.Ltmp18:
0x1df: {  	_ = 	snop;
	(pc) =	sbr.rel .LBB2_31-.Ltmp18, $2  }
0x1e0: {  	_ =	sdelay $0x2  }
0x1e1: {  	v46 =	vmovc v40;
	v45 =	vimm.f32 $-1.000000000e+00;
	s0 =	simm.s32 $0x0;
	v47 =	vmov v41;
	v48 =	vmov v39  }
.LBB2_22:
.Ltmp19:
0x1e2: {  	(pc) =	sbr.rel .LBB2_31-.Ltmp19, $2  }
0x1e3: {  	_ =	sdelay $0x2  }
0x1e4: {  	v45 =	vimm.f32 $-1.000000000e+00;
	s0 =	simm.s32 $0x0  }
.LBB2_24:
.Ltmp20:
0x1e5: {  	(pc) =	sbr.rel .LBB2_31-.Ltmp20, $2  }
0x1e6: {  	_ =	sdelay $0x2  }
0x1e7: {  	v41 =	vmovc v39;
	v46 =	vmov v42;
	v45 =	vimm.f32 $-1.000000000e+00;
	s0 =	simm.s32 $0x0;
	v48 =	vmov v54  }
.LBB2_26:
.Ltmp21:
0x1e8: {  	(pc) =	sbr.rel .LBB2_31-.Ltmp21, $2  }
0x1e9: {  	_ =	sdelay $0x2  }
0x1ea: {  	v43 =	vmovc v42;
	v45 =	vimm.f32 $-1.000000000e+00;
	s0 =	simm.s32 $0x0;
	v53 =	vmov v39;
	v41 =	vmov v40  }
.LBB2_28:
.Ltmp22:
0x1eb: {  	_ = 	snop;
	(pc) =	sbr.rel .LBB2_31-.Ltmp22, $3  }
0x1ec: {  	_ =	sdelay $0x1  }
0x1ed: {  	v46 =	vmov v56  }
0x1ee: {  	v45 =	vimm.f32 $-1.000000000e+00;
	s0 =	simm.s32 $0x0;
	v53 =	vmovc v40;
	v47 =	vmovc v52;
	v52 =	vmov v54;
	v48 =	vmov v55  }
.LBB2_14:
.Ltmp23:
0x1ef: {  	(pc) =	sbr.rel @p3 .LBB2_17-.Ltmp23, $1  }
0x1f0: {  	_ =	sdelay $0x3  }
0x1f1: {  	p1 =	por !p1, !p1  }
0x1f2: {  	p0 =	por !p1, !p0  }
0x1f3: {  	s0 =	simm.s32 $0x1;
	p0 =	por !p0, !p0  }
0x1f4: {  	s0 =	simm.s32 @!p0 $0x0  }
0x1f5: {  	s1 =	simm.s32 $0x0;
	s0 =	sadd.s32 s0, s30  }
.LBB2_16:
0x1f6: {  	v20 =	vmov s1  }
0x1f7: {  	v20 =	vmul.u32 $0x5, v20;
	_ =	sdelay $0x1  }
0x1f8: {  	v20 =	vbroadcast v20, $0x0  }
0x1f9: {  	s2 =	sadd.s32 s1, s0  }
0x1fa: {  	v21 =	vmov s2;
	v20 =	vadd.s32 v0, v20  }
0x1fb: {  	v21 =	vmul.u32 $0x5, v21;
	_ =	sdelay $0x1  }
0x1fc: {  	s1 =	sadd.s32 $0x1, s1;
	v21 =	vbroadcast v21, $0x0  }
0x1fd: {  	s31 =	sadd.s32 s1, s0  }
0x1fe: {  	p0 =	sne.s32 s31, $0x64;
	v21 =	vadd.s32 v0, v21;
	v20 =	vld.idx.msk [tilespmem:v20+s25+$0x0], $0xffff  }
.Ltmp24:
0x1ff: {  	_ = 	snop;
	(pc) =	sbr.rel @p0 .LBB2_16-.Ltmp24, $2  }
0x200: {  	_ =	sdelay $0x2  }
0x201: {  	[tilespmem:v21+s24+$0x0] =	vst.idx.msk $0x1f, v20  }
.Ltmp25:
0x202: {  	_ = 	snop;
	(pc) =	sbr.rel .LBB2_17-.Ltmp25, $1  }
0x203: {  	_ =	sdelay $0x3  }
.LBB2_5:
.Ltmp26:
0x204: {  	(pc) =	sbr.rel .LBB2_11-.Ltmp26, $2  }
0x205: {  	_ =	sdelay $0x2  }
0x206: {  	s0 =	simm.s32 $0x18E00  }
.LBB2_7:
.Ltmp27:
0x207: {  	(pc) =	sbr.rel .LBB2_11-.Ltmp27, $2  }
0x208: {  	_ =	sdelay $0x2  }
0x209: {  	s28 =	simm.s32 $0x100;
	s0 =	simm.s32 $0x18E00  }
.LBB2_9:
.Ltmp28:
0x20a: {  	(pc) =	sbr.rel .LBB2_11-.Ltmp28, $2  }
0x20b: {  	_ =	sdelay $0x2  }
0x20c: {  	s0 =	simm.s32 $0x18E00  }
.Lfunc_end2:
_tile_overlayer_lowered:
.L_overlay_start_2:
0x20d: {  	(tag) =	ssettag $0x2  }
0x20e: {  	s0 =	rddreg [dreg:$0x0];
	s2 =	stileid.u32  }
0x20f: {  	s1 =	rddreg [dreg:$0x1];
	p0 =	sne.s32 s2, $0x0  }
0x210: {  	s3 =	rddreg [dreg:$0x2];
	[bflag:$0x3] =	sbarrier.arrive $0xFFFF;
	s2 =	simm.s32 @!p0 $0x1C03  }
0x211: {  	[timem:s3], [sflag:s2] =	dma.local @!p0 [hbm:s0], s1  }
0x212: {  	s0 =	simm.s32 @!p0 $0x3  }
0x213: {  	_ =	swait.ge @!p0 [sflag:s0], s1  }
0x214: {  	s1 =	ssub.s32 @!p0 $0x0, s1;
	[sflag:s0] =	ssyncset.done @!p0 $0x0  }
0x215: {  	[sflag:s0] =	ssyncadd.s32 @!p0 s1  }
0x216: {  	[bflag:$0x3] =	sbarrier.arrive $0xFFFF  }
0x217: {  	_ =	shalt  }

</sc_bundles>
